<compile_context>
chip_gen: v7x
topology: tpu7x:2x2x1
jax: 0.10.2.dev20260603
libtpu: 0.0.44.dev20260713+nightly
codegen_flags: <defaults>
</compile_context>

<pallas_src>
import dataclasses
import functools

import jax
import jax.numpy as jnp
from jax import lax
from jax.experimental import pallas as pl
from jax.experimental.pallas import tpu as pltpu
from jax.experimental.pallas import tpu_sc as plsc

N_AGENTS = 1000000
N_GROUPS = 100000
TAU = 0.1
DELTA_T = 1.0
NOW = 0.5
EPS = 1e-9

LANES = 128
ROWS = 7936
NP = ROWS * LANES
NSC = 2
NTILE = 16
NW = NSC * NTILE
SC_ROWS = ROWS // NTILE
W_ROWS = ROWS // NW
SCAT_CH = 16
SCAT_NCH = SC_ROWS // SCAT_CH
GATH_CH = 8
GATH_NCH = W_ROWS // GATH_CH
NGP = 100352
GSLICE = NGP // NTILE

BLK = 32768
TC_GRID = NP // BLK


SCAT_N = SCAT_CH * LANES
GATH_N = GATH_CH * LANES


def _sc_segment_gather(trans1d, gid1d, zeros_g):
    mesh = plsc.VectorSubcoreMesh(core_axis_name="c", subcore_axis_name="s")
    cp = pltpu.CompilerParams()
    if "needs_layout_passes" in pltpu.CompilerParams.__dataclass_fields__:
        cp = dataclasses.replace(cp, needs_layout_passes=False)

    @functools.partial(
        pl.kernel,
        out_type=jax.ShapeDtypeStruct((NP,), jnp.float32),
        mesh=mesh,
        compiler_params=cp,
        scratch_types=[
            pltpu.VMEM_SHARED((NGP,), jnp.float32),
            pltpu.VMEM((NGP,), jnp.float32),
            pltpu.VMEM((SCAT_N,), jnp.int32),
            pltpu.VMEM((SCAT_N,), jnp.int32),
            pltpu.VMEM((SCAT_N,), jnp.float32),
            pltpu.VMEM((SCAT_N,), jnp.float32),
            pltpu.VMEM((GATH_N,), jnp.int32),
            pltpu.VMEM((GATH_N,), jnp.float32),
            pltpu.SemaphoreType.DMA,
            pltpu.SemaphoreType.DMA,
            pltpu.SemaphoreType.DMA,
            pltpu.SemaphoreType.DMA,
            pltpu.SemaphoreType.DMA,
        ],
    )
    def k(trans_hbm, gid_hbm, zeros_hbm, gt_hbm, acc, tot_v,
          idx0, idx1, val0, val1, gidx, gout,
          s_st0, s_st1, s_sc0, s_sc1, s_g):
        c = lax.axis_index("c")
        s = lax.axis_index("s")
        base0 = s * SC_ROWS * LANES

        def stage_start(ch, idxb, valb, semb):
            a = base0 + ch * SCAT_N
            pltpu.async_copy(gid_hbm.at[pl.ds(a, SCAT_N)], idxb, semb)
            pltpu.async_copy(trans_hbm.at[pl.ds(a, SCAT_N)], valb, semb)

        def stage_wait(idxb, valb, semb):
            pltpu.make_async_copy(gid_hbm.at[pl.ds(base0, SCAT_N)], idxb,
                                  semb).wait()
            pltpu.make_async_copy(trans_hbm.at[pl.ds(base0, SCAT_N)], valb,
                                  semb).wait()

        def fire(idxb, valb, semc):
            pltpu.async_copy(valb, acc.at[idxb], semc, add=True)

        def drain(idxb, valb, semc):
            pltpu.make_async_copy(valb, acc.at[idxb], semc).wait()

        with jax.named_scope("ph_zero"):
            stage_start(0, idx0, val0, s_st0)
            stage_start(1, idx1, val1, s_st1)
            pltpu.sync_copy(zeros_hbm.at[pl.ds(s * GSLICE, GSLICE)],
                            acc.at[pl.ds(s * GSLICE, GSLICE)])
            plsc.subcore_barrier()

        @pl.loop(0, (SCAT_NCH - 1) // 2)
        def _(i):
            ca = 2 * i
            cb = 2 * i + 1
            stage_wait(idx0, val0, s_st0)
            fire(idx0, val0, s_sc0)
            stage_wait(idx1, val1, s_st1)
            fire(idx1, val1, s_sc1)
            drain(idx0, val0, s_sc0)
            stage_start(ca + 2, idx0, val0, s_st0)
            drain(idx1, val1, s_sc1)

            @pl.when(cb + 2 < SCAT_NCH)
            def _():
                stage_start(cb + 2, idx1, val1, s_st1)

        with jax.named_scope("ph_scat_tail"):
            stage_wait(idx0, val0, s_st0)
            fire(idx0, val0, s_sc0)
            drain(idx0, val0, s_sc0)
            plsc.subcore_barrier()

        with jax.named_scope("ph_totcopy"):
            pltpu.sync_copy(acc, tot_v)
        w = c * NTILE + s
        gbase0 = w * W_ROWS * LANES

        with jax.named_scope("ph_gather"):
            @pl.loop(0, GATH_NCH)
            def _(ch):
                a = gbase0 + ch * GATH_N
                pltpu.sync_copy(gid_hbm.at[pl.ds(a, GATH_N)], gidx)
                for g in range(GATH_N // 16):
                    idx = gidx[pl.ds(g * 16, 16)]
                    vals = plsc.load_gather(tot_v, [idx])
                    gout[pl.ds(g * 16, 16)] = vals
                pltpu.sync_copy(gout, gt_hbm.at[pl.ds(a, GATH_N)])

    return k(trans1d, gid1d, zeros_g)


def _tc_body(lb_ref, gt_ref, su_ref, un_ref, ii_ref, it_ref, o_ref):
    beta = jnp.exp(jnp.full((BLK,), lb_ref[0], jnp.float32))
    gt = gt_ref[...]
    su = su_ref[...]
    lam = beta * gt * su * DELTA_T
    pn = jnp.exp(-lam)
    l0 = jnp.log(pn + EPS)
    l1 = jnp.log(1.0 - pn + EPS)
    g0 = -jnp.log(-jnp.log(un_ref[0] + EPS) + EPS)
    g1 = -jnp.log(-jnp.log(un_ref[1] + EPS) + EPS)
    inf = jnp.where(l1 + g1 > l0 + g0, 1.0, 0.0).astype(jnp.float32)
    o_ref[0] = inf
    o_ref[1] = jnp.maximum(0.0, su - inf)
    o_ref[2] = ii_ref[...] + inf
    o_ref[3] = jnp.where(inf > 0.5, NOW, it_ref[...])


def _tc_elementwise(log_beta, gt, su, un, ii, it):
    blk1 = lambda: pl.BlockSpec((BLK,), lambda i: (i,))
    return pl.pallas_call(
        _tc_body,
        grid=(TC_GRID,),
        in_specs=[
            pl.BlockSpec(memory_space=pltpu.SMEM),
            blk1(),
            blk1(),
            pl.BlockSpec((2, BLK), lambda i: (0, i)),
            blk1(),
            blk1(),
        ],
        out_specs=pl.BlockSpec((4, BLK), lambda i: (0, i)),
        out_shape=jax.ShapeDtypeStruct((4, N_AGENTS), jnp.float32),
    )(log_beta, gt, su, un, ii, it)


def kernel(transmission, susceptibility, is_infected, infection_time,
           uniform_noise, log_beta, group_ids):
    npad = NP - N_AGENTS
    trans1d = jnp.pad(transmission, (0, npad))
    tail = (N_GROUPS
            + jnp.mod(jnp.arange(npad, dtype=jnp.int32), NGP - N_GROUPS))
    gid1d = jnp.concatenate([group_ids.astype(jnp.int32), tail])
    zeros_g = jnp.zeros((NGP,), jnp.float32)
    gt = _sc_segment_gather(trans1d, gid1d, zeros_g)
    return _tc_elementwise(log_beta, gt, susceptibility, uniform_noise,
                           is_infected, infection_time)

# --- scband reference (transcript-rebuilt; emitter-appended) ---
"""Pipeline reference for scband-torch-june-52269751992576 (READ-ONLY COPY).

The authoritative reference and input builder live on the scoring server;
editing this copy changes nothing except your own understanding.
"""

import jax, jax.numpy as jnp
import numpy as np

N_AGENTS = 1000000
N_GROUPS = 100000
TAU = 0.1
DELTA_T = 1.0
NOW = 0.5
EPS = 1e-9


def setup_inputs(seed: int = 0) -> dict:
    key = jax.random.key(seed)
    k1, k2, k3, k4 = jax.random.split(key, 4)
    transmission = jax.random.uniform(k1, (N_AGENTS,), dtype=jnp.float32)
    susceptibility = jax.random.uniform(k2, (N_AGENTS,), dtype=jnp.float32)
    is_infected = jnp.zeros((N_AGENTS,), dtype=jnp.float32)
    infection_time = jnp.zeros((N_AGENTS,), dtype=jnp.float32)
    uniform_noise = jax.random.uniform(k3, (2, N_AGENTS), dtype=jnp.float32)
    log_beta = jnp.zeros((1,), dtype=jnp.float32)
    group_ids = jax.random.randint(k4, (N_AGENTS,), 0, N_GROUPS)
    return {
        "transmission": transmission,
        "susceptibility": susceptibility,
        "is_infected": is_infected,
        "infection_time": infection_time,
        "uniform_noise": uniform_noise,
        "log_beta": log_beta,
        "group_ids": group_ids,
    }


def reference(transmission, susceptibility, is_infected, infection_time, uniform_noise, log_beta, group_ids):
    # InfectionPassing: group-level transmission via scatter-add (segment_sum),
    # then gather back to agents -> per-agent not-infected probability.
    beta = jnp.exp(log_beta[0])
    group_trans = jax.ops.segment_sum(transmission, group_ids, num_segments=N_GROUPS)
    lam = beta * group_trans[group_ids] * susceptibility * DELTA_T
    not_infected_probs = jnp.exp(-lam)
    # IsInfectedSampler: hard Gumbel-softmax over {not infected, infected}
    probs = jnp.stack([not_infected_probs, 1.0 - not_infected_probs], axis=0)
    logits = jnp.log(probs + EPS)
    gumbel = -jnp.log(-jnp.log(uniform_noise + EPS) + EPS)
    y_soft = jax.nn.softmax((logits + gumbel) / TAU, axis=0)
    idx = jnp.argmax(y_soft, axis=0)
    y_hard = jax.nn.one_hot(idx, 2, axis=0, dtype=y_soft.dtype)
    y = y_hard + y_soft - jax.lax.stop_gradient(y_soft)  # straight-through
    new_infected = y[1]
    # State updates as in TorchJune.forward
    new_susceptibility = jnp.maximum(0.0, susceptibility - new_infected)
    new_is_infected = is_infected + new_infected
    new_infection_time = jnp.where(new_infected > 0.5, NOW, infection_time)
    return jnp.stack([new_infected, new_susceptibility, new_is_infected, new_infection_time], axis=0)

if __name__ == "__main__":
    import jax
    _d = setup_inputs()
    print(jax.jit(kernel)(*tuple(_d.values())))

</pallas_src>

<mosaic_0001>
#map = affine_map<(d0, d1) -> (0)>
module attributes {stable_mosaic.version = 14 : i64} {
  func.func @k(%arg0: i32, %arg1: i32, %arg2: memref<1015808xf32, #tpu.memory_space<hbm>>, %arg3: memref<1015808xi32, #tpu.memory_space<hbm>>, %arg4: memref<100352xf32, #tpu.memory_space<hbm>>, %arg5: memref<1015808xf32, #tpu.memory_space<hbm>>, %arg6: memref<100352xf32, #tpu.memory_space<vmem_shared>>, %arg7: memref<100352xf32, #tpu.memory_space<vmem>>, %arg8: memref<2048xi32, #tpu.memory_space<vmem>>, %arg9: memref<2048xi32, #tpu.memory_space<vmem>>, %arg10: memref<2048xf32, #tpu.memory_space<vmem>>, %arg11: memref<2048xf32, #tpu.memory_space<vmem>>, %arg12: memref<1024xi32, #tpu.memory_space<vmem>>, %arg13: memref<1024xf32, #tpu.memory_space<vmem>>, %arg14: memref<!tpu.dma_semaphore, #tpu.memory_space<semaphore_mem>>, %arg15: memref<!tpu.dma_semaphore, #tpu.memory_space<semaphore_mem>>, %arg16: memref<!tpu.dma_semaphore, #tpu.memory_space<semaphore_mem>>, %arg17: memref<!tpu.dma_semaphore, #tpu.memory_space<semaphore_mem>>, %arg18: memref<!tpu.dma_semaphore, #tpu.memory_space<semaphore_mem>>) attributes {dimension_semantics = [#tpu.dimension_semantics<core_parallel>, #tpu.dimension_semantics<subcore_parallel>], iteration_bounds = array<i64: 2, 16>, scalar_prefetch = 0 : i64, scratch_operands = 13 : i64, tpu.core_type = #tpu.core_type<sc_vector_subcore>, window_params = [{transform_indices = #map}, {transform_indices = #map}, {transform_indices = #map}, {transform_indices = #map}]} {
    %mul3A = arith.constant 496 : i32
    %mul3A_0 = arith.muli %arg1, %mul3A : i32
    %mul3A_1 = arith.constant 128 : i32
    %mul3A_2 = arith.muli %mul3A_0, %mul3A_1 : i32
    "tpu.trace_start"() <{level = 10 : i32, message = "ph_zero"}> : () -> ()
    %add3A = arith.constant 0 : i32
    %add3A_3 = arith.addi %mul3A_2, %add3A : i32
    %dma_start3A = tpu.memref_slice %arg3[%add3A_3] : memref<1015808xi32, #tpu.memory_space<hbm>> -> memref<2048xi32, #tpu.memory_space<hbm>>
    %dma_start3A_4 = tpu.memref_slice %arg3[%add3A_3] : memref<1015808xi32, #tpu.memory_space<hbm>> -> memref<2048xi32, #tpu.memory_space<hbm>>
    tpu.enqueue_dma source(%dma_start3A_4 : memref<2048xi32, #tpu.memory_space<hbm>>) target(%arg8 : memref<2048xi32, #tpu.memory_space<vmem>>) target_semaphore(%arg14 : memref<!tpu.dma_semaphore, #tpu.memory_space<semaphore_mem>>)
    %dma_start3A_5 = tpu.memref_slice %arg2[%add3A_3] : memref<1015808xf32, #tpu.memory_space<hbm>> -> memref<2048xf32, #tpu.memory_space<hbm>>
    %dma_start3A_6 = tpu.memref_slice %arg2[%add3A_3] : memref<1015808xf32, #tpu.memory_space<hbm>> -> memref<2048xf32, #tpu.memory_space<hbm>>
    tpu.enqueue_dma source(%dma_start3A_6 : memref<2048xf32, #tpu.memory_space<hbm>>) target(%arg10 : memref<2048xf32, #tpu.memory_space<vmem>>) target_semaphore(%arg14 : memref<!tpu.dma_semaphore, #tpu.memory_space<semaphore_mem>>)
    %add3A_7 = arith.constant 2048 : i32
    %add3A_8 = arith.addi %mul3A_2, %add3A_7 : i32
    %dma_start3A_9 = tpu.memref_slice %arg3[%add3A_8] : memref<1015808xi32, #tpu.memory_space<hbm>> -> memref<2048xi32, #tpu.memory_space<hbm>>
    %dma_start3A_10 = tpu.memref_slice %arg3[%add3A_8] : memref<1015808xi32, #tpu.memory_space<hbm>> -> memref<2048xi32, #tpu.memory_space<hbm>>
    tpu.enqueue_dma source(%dma_start3A_10 : memref<2048xi32, #tpu.memory_space<hbm>>) target(%arg9 : memref<2048xi32, #tpu.memory_space<vmem>>) target_semaphore(%arg15 : memref<!tpu.dma_semaphore, #tpu.memory_space<semaphore_mem>>)
    %dma_start3A_11 = tpu.memref_slice %arg2[%add3A_8] : memref<1015808xf32, #tpu.memory_space<hbm>> -> memref<2048xf32, #tpu.memory_space<hbm>>
    %dma_start3A_12 = tpu.memref_slice %arg2[%add3A_8] : memref<1015808xf32, #tpu.memory_space<hbm>> -> memref<2048xf32, #tpu.memory_space<hbm>>
    tpu.enqueue_dma source(%dma_start3A_12 : memref<2048xf32, #tpu.memory_space<hbm>>) target(%arg11 : memref<2048xf32, #tpu.memory_space<vmem>>) target_semaphore(%arg15 : memref<!tpu.dma_semaphore, #tpu.memory_space<semaphore_mem>>)
    %mul3A_13 = arith.constant 6272 : i32
    %mul3A_14 = arith.muli %arg1, %mul3A_13 : i32
    %mul3A_15 = arith.constant 6272 : i32
    %mul3A_16 = arith.muli %arg1, %mul3A_15 : i32
    "tpu.region"() ({
      %run_scoped3A = tpu.sem_alloc : memref<!tpu.dma_semaphore, #tpu.memory_space<semaphore_mem>>
      %dma_start3A_41 = tpu.memref_slice %arg6[%mul3A_16] : memref<100352xf32, #tpu.memory_space<vmem_shared>> -> memref<6272xf32, #tpu.memory_space<vmem_shared>>
      %dma_start3A_42 = tpu.memref_slice %arg4[%mul3A_14] : memref<100352xf32, #tpu.memory_space<hbm>> -> memref<6272xf32, #tpu.memory_space<hbm>>
      tpu.enqueue_dma source(%dma_start3A_42 : memref<6272xf32, #tpu.memory_space<hbm>>) target(%dma_start3A_41 : memref<6272xf32, #tpu.memory_space<vmem_shared>>) target_semaphore(%run_scoped3A : memref<!tpu.dma_semaphore, #tpu.memory_space<semaphore_mem>>)
      %dma_wait3A_43 = tpu.memref_slice %arg6[%mul3A_16] : memref<100352xf32, #tpu.memory_space<vmem_shared>> -> memref<6272xf32, #tpu.memory_space<vmem_shared>>
      %dma_wait3A_44 = tpu.memref_slice %arg4[%mul3A_14] : memref<100352xf32, #tpu.memory_space<hbm>> -> memref<6272xf32, #tpu.memory_space<hbm>>
      tpu.wait_dma2 semaphore(%run_scoped3A : memref<!tpu.dma_semaphore, #tpu.memory_space<semaphore_mem>>) src(%dma_wait3A_44 : memref<6272xf32, #tpu.memory_space<hbm>>) dst(%dma_wait3A_43 : memref<6272xf32, #tpu.memory_space<vmem_shared>>)
      tpu.yield
    }) : () -> ()
    %barrier3A = arith.constant 0 : index
    tpu.barrier barrier_id(%barrier3A)
    "tpu.trace_stop"() : () -> ()
    %scan3A = arith.constant 0 : i32
    %scan3A_17 = arith.constant 15 : i32
    %scan3A_18 = arith.addi %scan3A, %scan3A_17 : i32
    %scan3A_19 = arith.constant 1 : i32
    scf.for %scan3A_41 = %scan3A to %scan3A_18 step %scan3A_19  : i32 {
      %mul3A_42 = arith.constant 1 : i32
      %mul3A_43 = arith.muli %scan3A_41, %mul3A_42 : i32
      %add3A_44 = arith.constant 0 : i32
      %add3A_45 = arith.addi %add3A_44, %mul3A_43 : i32
      %mul3A_46 = arith.constant 2 : i32
      %mul3A_47 = arith.muli %mul3A_46, %add3A_45 : i32
      %mul3A_48 = arith.constant 2 : i32
      %mul3A_49 = arith.muli %mul3A_48, %add3A_45 : i32
      %add3A_50 = arith.constant 1 : i32
      %add3A_51 = arith.addi %mul3A_49, %add3A_50 : i32
      %dma_wait3A_52 = tpu.memref_slice %arg3[%mul3A_2] : memref<1015808xi32, #tpu.memory_space<hbm>> -> memref<2048xi32, #tpu.memory_space<hbm>>
      %dma_wait3A_53 = tpu.memref_slice %arg3[%mul3A_2] : memref<1015808xi32, #tpu.memory_space<hbm>> -> memref<2048xi32, #tpu.memory_space<hbm>>
      tpu.wait_dma2 semaphore(%arg14 : memref<!tpu.dma_semaphore, #tpu.memory_space<semaphore_mem>>) src(%dma_wait3A_53 : memref<2048xi32, #tpu.memory_space<hbm>>) dst(%arg8 : memref<2048xi32, #tpu.memory_space<vmem>>)
      %dma_wait3A_54 = tpu.memref_slice %arg2[%mul3A_2] : memref<1015808xf32, #tpu.memory_space<hbm>> -> memref<2048xf32, #tpu.memory_space<hbm>>
      %dma_wait3A_55 = tpu.memref_slice %arg2[%mul3A_2] : memref<1015808xf32, #tpu.memory_space<hbm>> -> memref<2048xf32, #tpu.memory_space<hbm>>
      tpu.wait_dma2 semaphore(%arg14 : memref<!tpu.dma_semaphore, #tpu.memory_space<semaphore_mem>>) src(%dma_wait3A_55 : memref<2048xf32, #tpu.memory_space<hbm>>) dst(%arg10 : memref<2048xf32, #tpu.memory_space<vmem>>)
      %dma_start3A_56 = arith.constant 0 : i32
      %dma_start3A_57 = tpu.memref_slice %arg6[%dma_start3A_56] : memref<100352xf32, #tpu.memory_space<vmem_shared>> -> memref<100352xf32, #tpu.memory_space<vmem_shared>>
      tpu.enqueue_indirect_dma source(%arg10 : memref<2048xf32, #tpu.memory_space<vmem>>) target(%dma_start3A_57 : memref<100352xf32, #tpu.memory_space<vmem_shared>>) offsets(%arg8 : memref<2048xi32, #tpu.memory_space<vmem>>) semaphore(%arg16 : memref<!tpu.dma_semaphore, #tpu.memory_space<semaphore_mem>>) {add = true}
      %dma_wait3A_58 = tpu.memref_slice %arg3[%mul3A_2] : memref<1015808xi32, #tpu.memory_space<hbm>> -> memref<2048xi32, #tpu.memory_space<hbm>>
      %dma_wait3A_59 = tpu.memref_slice %arg3[%mul3A_2] : memref<1015808xi32, #tpu.memory_space<hbm>> -> memref<2048xi32, #tpu.memory_space<hbm>>
      tpu.wait_dma2 semaphore(%arg15 : memref<!tpu.dma_semaphore, #tpu.memory_space<semaphore_mem>>) src(%dma_wait3A_59 : memref<2048xi32, #tpu.memory_space<hbm>>) dst(%arg9 : memref<2048xi32, #tpu.memory_space<vmem>>)
      %dma_wait3A_60 = tpu.memref_slice %arg2[%mul3A_2] : memref<1015808xf32, #tpu.memory_space<hbm>> -> memref<2048xf32, #tpu.memory_space<hbm>>
      %dma_wait3A_61 = tpu.memref_slice %arg2[%mul3A_2] : memref<1015808xf32, #tpu.memory_space<hbm>> -> memref<2048xf32, #tpu.memory_space<hbm>>
      tpu.wait_dma2 semaphore(%arg15 : memref<!tpu.dma_semaphore, #tpu.memory_space<semaphore_mem>>) src(%dma_wait3A_61 : memref<2048xf32, #tpu.memory_space<hbm>>) dst(%arg11 : memref<2048xf32, #tpu.memory_space<vmem>>)
      %dma_start3A_62 = arith.constant 0 : i32
      %dma_start3A_63 = tpu.memref_slice %arg6[%dma_start3A_62] : memref<100352xf32, #tpu.memory_space<vmem_shared>> -> memref<100352xf32, #tpu.memory_space<vmem_shared>>
      tpu.enqueue_indirect_dma source(%arg11 : memref<2048xf32, #tpu.memory_space<vmem>>) target(%dma_start3A_63 : memref<100352xf32, #tpu.memory_space<vmem_shared>>) offsets(%arg9 : memref<2048xi32, #tpu.memory_space<vmem>>) semaphore(%arg17 : memref<!tpu.dma_semaphore, #tpu.memory_space<semaphore_mem>>) {add = true}
      %dma_wait3A_64 = arith.constant 0 : i32
      %dma_wait3A_65 = tpu.memref_slice %arg6[%dma_wait3A_64] : memref<100352xf32, #tpu.memory_space<vmem_shared>> -> memref<100352xf32, #tpu.memory_space<vmem_shared>>
      tpu.wait_indirect_dma semaphore(%arg16 : memref<!tpu.dma_semaphore, #tpu.memory_space<semaphore_mem>>) src(%arg10 : memref<2048xf32, #tpu.memory_space<vmem>>) dst(%dma_wait3A_65 : memref<100352xf32, #tpu.memory_space<vmem_shared>>)
      %add3A_66 = arith.constant 2 : i32
      %add3A_67 = arith.addi %mul3A_47, %add3A_66 : i32
      %mul3A_68 = arith.constant 2048 : i32
      %mul3A_69 = arith.muli %add3A_67, %mul3A_68 : i32
      %add3A_70 = arith.addi %mul3A_2, %mul3A_69 : i32
      %dma_start3A_71 = tpu.memref_slice %arg3[%add3A_70] : memref<1015808xi32, #tpu.memory_space<hbm>> -> memref<2048xi32, #tpu.memory_space<hbm>>
      %dma_start3A_72 = tpu.memref_slice %arg3[%add3A_70] : memref<1015808xi32, #tpu.memory_space<hbm>> -> memref<2048xi32, #tpu.memory_space<hbm>>
      tpu.enqueue_dma source(%dma_start3A_72 : memref<2048xi32, #tpu.memory_space<hbm>>) target(%arg8 : memref<2048xi32, #tpu.memory_space<vmem>>) target_semaphore(%arg14 : memref<!tpu.dma_semaphore, #tpu.memory_space<semaphore_mem>>)
      %dma_start3A_73 = tpu.memref_slice %arg2[%add3A_70] : memref<1015808xf32, #tpu.memory_space<hbm>> -> memref<2048xf32, #tpu.memory_space<hbm>>
      %dma_start3A_74 = tpu.memref_slice %arg2[%add3A_70] : memref<1015808xf32, #tpu.memory_space<hbm>> -> memref<2048xf32, #tpu.memory_space<hbm>>
      tpu.enqueue_dma source(%dma_start3A_74 : memref<2048xf32, #tpu.memory_space<hbm>>) target(%arg10 : memref<2048xf32, #tpu.memory_space<vmem>>) target_semaphore(%arg14 : memref<!tpu.dma_semaphore, #tpu.memory_space<semaphore_mem>>)
      %dma_wait3A_75 = arith.constant 0 : i32
      %dma_wait3A_76 = tpu.memref_slice %arg6[%dma_wait3A_75] : memref<100352xf32, #tpu.memory_space<vmem_shared>> -> memref<100352xf32, #tpu.memory_space<vmem_shared>>
      tpu.wait_indirect_dma semaphore(%arg17 : memref<!tpu.dma_semaphore, #tpu.memory_space<semaphore_mem>>) src(%arg11 : memref<2048xf32, #tpu.memory_space<vmem>>) dst(%dma_wait3A_76 : memref<100352xf32, #tpu.memory_space<vmem_shared>>)
      %add3A_77 = arith.constant 2 : i32
      %add3A_78 = arith.addi %add3A_51, %add3A_77 : i32
      %lt3A = arith.constant 31 : i32
      %lt3A_79 = arith.cmpi slt, %add3A_78, %lt3A : i32
      %convert_element_type3A = arith.extui %lt3A_79 : i1 to i32
      %cond3A = arith.constant 0 : i32
      %cond3A_80 = arith.cmpi ne, %convert_element_type3A, %cond3A : i32
      scf.if %cond3A_80 {
        %add3A_81 = arith.constant 2 : i32
        %add3A_82 = arith.addi %add3A_51, %add3A_81 : i32
        %mul3A_83 = arith.constant 2048 : i32
        %mul3A_84 = arith.muli %add3A_82, %mul3A_83 : i32
        %add3A_85 = arith.addi %mul3A_2, %mul3A_84 : i32
        %dma_start3A_86 = tpu.memref_slice %arg3[%add3A_85] : memref<1015808xi32, #tpu.memory_space<hbm>> -> memref<2048xi32, #tpu.memory_space<hbm>>
        %dma_start3A_87 = tpu.memref_slice %arg3[%add3A_85] : memref<1015808xi32, #tpu.memory_space<hbm>> -> memref<2048xi32, #tpu.memory_space<hbm>>
        tpu.enqueue_dma source(%dma_start3A_87 : memref<2048xi32, #tpu.memory_space<hbm>>) target(%arg9 : memref<2048xi32, #tpu.memory_space<vmem>>) target_semaphore(%arg15 : memref<!tpu.dma_semaphore, #tpu.memory_space<semaphore_mem>>)
        %dma_start3A_88 = tpu.memref_slice %arg2[%add3A_85] : memref<1015808xf32, #tpu.memory_space<hbm>> -> memref<2048xf32, #tpu.memory_space<hbm>>
        %dma_start3A_89 = tpu.memref_slice %arg2[%add3A_85] : memref<1015808xf32, #tpu.memory_space<hbm>> -> memref<2048xf32, #tpu.memory_space<hbm>>
        tpu.enqueue_dma source(%dma_start3A_89 : memref<2048xf32, #tpu.memory_space<hbm>>) target(%arg11 : memref<2048xf32, #tpu.memory_space<vmem>>) target_semaphore(%arg15 : memref<!tpu.dma_semaphore, #tpu.memory_space<semaphore_mem>>)
      } else {
      }
    }
    %scan3A_20 = arith.constant 15 : i32
    "tpu.trace_start"() <{level = 10 : i32, message = "ph_scat_tail"}> : () -> ()
    %dma_wait3A = tpu.memref_slice %arg3[%mul3A_2] : memref<1015808xi32, #tpu.memory_space<hbm>> -> memref<2048xi32, #tpu.memory_space<hbm>>
    %dma_wait3A_21 = tpu.memref_slice %arg3[%mul3A_2] : memref<1015808xi32, #tpu.memory_space<hbm>> -> memref<2048xi32, #tpu.memory_space<hbm>>
    tpu.wait_dma2 semaphore(%arg14 : memref<!tpu.dma_semaphore, #tpu.memory_space<semaphore_mem>>) src(%dma_wait3A_21 : memref<2048xi32, #tpu.memory_space<hbm>>) dst(%arg8 : memref<2048xi32, #tpu.memory_space<vmem>>)
    %dma_wait3A_22 = tpu.memref_slice %arg2[%mul3A_2] : memref<1015808xf32, #tpu.memory_space<hbm>> -> memref<2048xf32, #tpu.memory_space<hbm>>
    %dma_wait3A_23 = tpu.memref_slice %arg2[%mul3A_2] : memref<1015808xf32, #tpu.memory_space<hbm>> -> memref<2048xf32, #tpu.memory_space<hbm>>
    tpu.wait_dma2 semaphore(%arg14 : memref<!tpu.dma_semaphore, #tpu.memory_space<semaphore_mem>>) src(%dma_wait3A_23 : memref<2048xf32, #tpu.memory_space<hbm>>) dst(%arg10 : memref<2048xf32, #tpu.memory_space<vmem>>)
    %dma_start3A_24 = arith.constant 0 : i32
    %dma_start3A_25 = tpu.memref_slice %arg6[%dma_start3A_24] : memref<100352xf32, #tpu.memory_space<vmem_shared>> -> memref<100352xf32, #tpu.memory_space<vmem_shared>>
    tpu.enqueue_indirect_dma source(%arg10 : memref<2048xf32, #tpu.memory_space<vmem>>) target(%dma_start3A_25 : memref<100352xf32, #tpu.memory_space<vmem_shared>>) offsets(%arg8 : memref<2048xi32, #tpu.memory_space<vmem>>) semaphore(%arg16 : memref<!tpu.dma_semaphore, #tpu.memory_space<semaphore_mem>>) {add = true}
    %dma_wait3A_26 = arith.constant 0 : i32
    %dma_wait3A_27 = tpu.memref_slice %arg6[%dma_wait3A_26] : memref<100352xf32, #tpu.memory_space<vmem_shared>> -> memref<100352xf32, #tpu.memory_space<vmem_shared>>
    tpu.wait_indirect_dma semaphore(%arg16 : memref<!tpu.dma_semaphore, #tpu.memory_space<semaphore_mem>>) src(%arg10 : memref<2048xf32, #tpu.memory_space<vmem>>) dst(%dma_wait3A_27 : memref<100352xf32, #tpu.memory_space<vmem_shared>>)
    %barrier3A_28 = arith.constant 0 : index
    tpu.barrier barrier_id(%barrier3A_28)
    "tpu.trace_stop"() : () -> ()
    "tpu.trace_start"() <{level = 10 : i32, message = "ph_totcopy"}> : () -> ()
    "tpu.region"() ({
      %run_scoped3A = tpu.sem_alloc : memref<!tpu.dma_semaphore, #tpu.memory_space<semaphore_mem>>
      tpu.enqueue_dma source(%arg6 : memref<100352xf32, #tpu.memory_space<vmem_shared>>) target(%arg7 : memref<100352xf32, #tpu.memory_space<vmem>>) target_semaphore(%run_scoped3A : memref<!tpu.dma_semaphore, #tpu.memory_space<semaphore_mem>>)
      tpu.wait_dma2 semaphore(%run_scoped3A : memref<!tpu.dma_semaphore, #tpu.memory_space<semaphore_mem>>) src(%arg6 : memref<100352xf32, #tpu.memory_space<vmem_shared>>) dst(%arg7 : memref<100352xf32, #tpu.memory_space<vmem>>)
      tpu.yield
    }) : () -> ()
    "tpu.trace_stop"() : () -> ()
    %mul3A_29 = arith.constant 16 : i32
    %mul3A_30 = arith.muli %arg0, %mul3A_29 : i32
    %add3A_31 = arith.addi %mul3A_30, %arg1 : i32
    %mul3A_32 = arith.constant 248 : i32
    %mul3A_33 = arith.muli %add3A_31, %mul3A_32 : i32
    %mul3A_34 = arith.constant 128 : i32
    %mul3A_35 = arith.muli %mul3A_33, %mul3A_34 : i32
    "tpu.trace_start"() <{level = 10 : i32, message = "ph_gather"}> : () -> ()
    %scan3A_36 = arith.constant 0 : i32
    %scan3A_37 = arith.constant 31 : i32
    %scan3A_38 = arith.addi %scan3A_36, %scan3A_37 : i32
    %scan3A_39 = arith.constant 1 : i32
    scf.for %scan3A_41 = %scan3A_36 to %scan3A_38 step %scan3A_39  : i32 {
      %mul3A_42 = arith.constant 1 : i32
      %mul3A_43 = arith.muli %scan3A_41, %mul3A_42 : i32
      %add3A_44 = arith.constant 0 : i32
      %add3A_45 = arith.addi %add3A_44, %mul3A_43 : i32
      %mul3A_46 = arith.constant 1024 : i32
      %mul3A_47 = arith.muli %add3A_45, %mul3A_46 : i32
      %add3A_48 = arith.addi %mul3A_35, %mul3A_47 : i32
      "tpu.region"() ({
        %run_scoped3A = tpu.sem_alloc : memref<!tpu.dma_semaphore, #tpu.memory_space<semaphore_mem>>
        %dma_start3A_366 = tpu.memref_slice %arg3[%add3A_48] : memref<1015808xi32, #tpu.memory_space<hbm>> -> memref<1024xi32, #tpu.memory_space<hbm>>
        %dma_start3A_367 = tpu.memref_slice %arg3[%add3A_48] : memref<1015808xi32, #tpu.memory_space<hbm>> -> memref<1024xi32, #tpu.memory_space<hbm>>
        tpu.enqueue_dma source(%dma_start3A_367 : memref<1024xi32, #tpu.memory_space<hbm>>) target(%arg12 : memref<1024xi32, #tpu.memory_space<vmem>>) target_semaphore(%run_scoped3A : memref<!tpu.dma_semaphore, #tpu.memory_space<semaphore_mem>>)
        %dma_wait3A_368 = tpu.memref_slice %arg3[%add3A_48] : memref<1015808xi32, #tpu.memory_space<hbm>> -> memref<1024xi32, #tpu.memory_space<hbm>>
        %dma_wait3A_369 = tpu.memref_slice %arg3[%add3A_48] : memref<1015808xi32, #tpu.memory_space<hbm>> -> memref<1024xi32, #tpu.memory_space<hbm>>
        tpu.wait_dma2 semaphore(%run_scoped3A : memref<!tpu.dma_semaphore, #tpu.memory_space<semaphore_mem>>) src(%dma_wait3A_369 : memref<1024xi32, #tpu.memory_space<hbm>>) dst(%arg12 : memref<1024xi32, #tpu.memory_space<vmem>>)
        tpu.yield
      }) : () -> ()
      %get3A = arith.constant 0 : index
      %get3A_49 = tpu.vector_load %arg12[%get3A] {strides = array<i32>} : memref<1024xi32, #tpu.memory_space<vmem>>, vector<16xi32>,
      %gather3A = tpu.vector_load_idx %arg7[%get3A_49] : memref<100352xf32, #tpu.memory_space<vmem>>[vector<16xi32>], vector<16xf32>,
      %swap3A = arith.constant 0 : index
      %swap3A_50 = tpu.vector_load %arg13[%swap3A] {strides = array<i32>} : memref<1024xf32, #tpu.memory_space<vmem>>, vector<16xf32>,
      tpu.vector_store %arg13[%swap3A], %gather3A {strides = array<i32>} : memref<1024xf32, #tpu.memory_space<vmem>>, vector<16xf32>,
      %get3A_51 = arith.constant 16 : index
      %get3A_52 = tpu.vector_load %arg12[%get3A_51] {strides = array<i32>} : memref<1024xi32, #tpu.memory_space<vmem>>, vector<16xi32>,
      %gather3A_53 = tpu.vector_load_idx %arg7[%get3A_52] : memref<100352xf32, #tpu.memory_space<vmem>>[vector<16xi32>], vector<16xf32>,
      %swap3A_54 = arith.constant 16 : index
      %swap3A_55 = tpu.vector_load %arg13[%swap3A_54] {strides = array<i32>} : memref<1024xf32, #tpu.memory_space<vmem>>, vector<16xf32>,
      tpu.vector_store %arg13[%swap3A_54], %gather3A_53 {strides = array<i32>} : memref<1024xf32, #tpu.memory_space<vmem>>, vector<16xf32>,
      %get3A_56 = arith.constant 32 : index
      %get3A_57 = tpu.vector_load %arg12[%get3A_56] {strides = array<i32>} : memref<1024xi32, #tpu.memory_space<vmem>>, vector<16xi32>,
      %gather3A_58 = tpu.vector_load_idx %arg7[%get3A_57] : memref<100352xf32, #tpu.memory_space<vmem>>[vector<16xi32>], vector<16xf32>,
      %swap3A_59 = arith.constant 32 : index
      %swap3A_60 = tpu.vector_load %arg13[%swap3A_59] {strides = array<i32>} : memref<1024xf32, #tpu.memory_space<vmem>>, vector<16xf32>,
      tpu.vector_store %arg13[%swap3A_59], %gather3A_58 {strides = array<i32>} : memref<1024xf32, #tpu.memory_space<vmem>>, vector<16xf32>,
      %get3A_61 = arith.constant 48 : index
      %get3A_62 = tpu.vector_load %arg12[%get3A_61] {strides = array<i32>} : memref<1024xi32, #tpu.memory_space<vmem>>, vector<16xi32>,
      %gather3A_63 = tpu.vector_load_idx %arg7[%get3A_62] : memref<100352xf32, #tpu.memory_space<vmem>>[vector<16xi32>], vector<16xf32>,
      %swap3A_64 = arith.constant 48 : index
      %swap3A_65 = tpu.vector_load %arg13[%swap3A_64] {strides = array<i32>} : memref<1024xf32, #tpu.memory_space<vmem>>, vector<16xf32>,
      tpu.vector_store %arg13[%swap3A_64], %gather3A_63 {strides = array<i32>} : memref<1024xf32, #tpu.memory_space<vmem>>, vector<16xf32>,
      %get3A_66 = arith.constant 64 : index
      %get3A_67 = tpu.vector_load %arg12[%get3A_66] {strides = array<i32>} : memref<1024xi32, #tpu.memory_space<vmem>>, vector<16xi32>,
      %gather3A_68 = tpu.vector_load_idx %arg7[%get3A_67] : memref<100352xf32, #tpu.memory_space<vmem>>[vector<16xi32>], vector<16xf32>,
      %swap3A_69 = arith.constant 64 : index
      %swap3A_70 = tpu.vector_load %arg13[%swap3A_69] {strides = array<i32>} : memref<1024xf32, #tpu.memory_space<vmem>>, vector<16xf32>,
      tpu.vector_store %arg13[%swap3A_69], %gather3A_68 {strides = array<i32>} : memref<1024xf32, #tpu.memory_space<vmem>>, vector<16xf32>,
      %get3A_71 = arith.constant 80 : index
      %get3A_72 = tpu.vector_load %arg12[%get3A_71] {strides = array<i32>} : memref<1024xi32, #tpu.memory_space<vmem>>, vector<16xi32>,
      %gather3A_73 = tpu.vector_load_idx %arg7[%get3A_72] : memref<100352xf32, #tpu.memory_space<vmem>>[vector<16xi32>], vector<16xf32>,
      %swap3A_74 = arith.constant 80 : index
      %swap3A_75 = tpu.vector_load %arg13[%swap3A_74] {strides = array<i32>} : memref<1024xf32, #tpu.memory_space<vmem>>, vector<16xf32>,
      tpu.vector_store %arg13[%swap3A_74], %gather3A_73 {strides = array<i32>} : memref<1024xf32, #tpu.memory_space<vmem>>, vector<16xf32>,
      %get3A_76 = arith.constant 96 : index
      %get3A_77 = tpu.vector_load %arg12[%get3A_76] {strides = array<i32>} : memref<1024xi32, #tpu.memory_space<vmem>>, vector<16xi32>,
      %gather3A_78 = tpu.vector_load_idx %arg7[%get3A_77] : memref<100352xf32, #tpu.memory_space<vmem>>[vector<16xi32>], vector<16xf32>,
      %swap3A_79 = arith.constant 96 : index
      %swap3A_80 = tpu.vector_load %arg13[%swap3A_79] {strides = array<i32>} : memref<1024xf32, #tpu.memory_space<vmem>>, vector<16xf32>,
      tpu.vector_store %arg13[%swap3A_79], %gather3A_78 {strides = array<i32>} : memref<1024xf32, #tpu.memory_space<vmem>>, vector<16xf32>,
      %get3A_81 = arith.constant 112 : index
      %get3A_82 = tpu.vector_load %arg12[%get3A_81] {strides = array<i32>} : memref<1024xi32, #tpu.memory_space<vmem>>, vector<16xi32>,
      %gather3A_83 = tpu.vector_load_idx %arg7[%get3A_82] : memref<100352xf32, #tpu.memory_space<vmem>>[vector<16xi32>], vector<16xf32>,
      %swap3A_84 = arith.constant 112 : index
      %swap3A_85 = tpu.vector_load %arg13[%swap3A_84] {strides = array<i32>} : memref<1024xf32, #tpu.memory_space<vmem>>, vector<16xf32>,
      tpu.vector_store %arg13[%swap3A_84], %gather3A_83 {strides = array<i32>} : memref<1024xf32, #tpu.memory_space<vmem>>, vector<16xf32>,
      %get3A_86 = arith.constant 128 : index
      %get3A_87 = tpu.vector_load %arg12[%get3A_86] {strides = array<i32>} : memref<1024xi32, #tpu.memory_space<vmem>>, vector<16xi32>,
      %gather3A_88 = tpu.vector_load_idx %arg7[%get3A_87] : memref<100352xf32, #tpu.memory_space<vmem>>[vector<16xi32>], vector<16xf32>,
      %swap3A_89 = arith.constant 128 : index
      %swap3A_90 = tpu.vector_load %arg13[%swap3A_89] {strides = array<i32>} : memref<1024xf32, #tpu.memory_space<vmem>>, vector<16xf32>,
      tpu.vector_store %arg13[%swap3A_89], %gather3A_88 {strides = array<i32>} : memref<1024xf32, #tpu.memory_space<vmem>>, vector<16xf32>,
      %get3A_91 = arith.constant 144 : index
      %get3A_92 = tpu.vector_load %arg12[%get3A_91] {strides = array<i32>} : memref<1024xi32, #tpu.memory_space<vmem>>, vector<16xi32>,
      %gather3A_93 = tpu.vector_load_idx %arg7[%get3A_92] : memref<100352xf32, #tpu.memory_space<vmem>>[vector<16xi32>], vector<16xf32>,
      %swap3A_94 = arith.constant 144 : index
      %swap3A_95 = tpu.vector_load %arg13[%swap3A_94] {strides = array<i32>} : memref<1024xf32, #tpu.memory_space<vmem>>, vector<16xf32>,
      tpu.vector_store %arg13[%swap3A_94], %gather3A_93 {strides = array<i32>} : memref<1024xf32, #tpu.memory_space<vmem>>, vector<16xf32>,
      %get3A_96 = arith.constant 160 : index
      %get3A_97 = tpu.vector_load %arg12[%get3A_96] {strides = array<i32>} : memref<1024xi32, #tpu.memory_space<vmem>>, vector<16xi32>,
      %gather3A_98 = tpu.vector_load_idx %arg7[%get3A_97] : memref<100352xf32, #tpu.memory_space<vmem>>[vector<16xi32>], vector<16xf32>,
      %swap3A_99 = arith.constant 160 : index
      %swap3A_100 = tpu.vector_load %arg13[%swap3A_99] {strides = array<i32>} : memref<1024xf32, #tpu.memory_space<vmem>>, vector<16xf32>,
      tpu.vector_store %arg13[%swap3A_99], %gather3A_98 {strides = array<i32>} : memref<1024xf32, #tpu.memory_space<vmem>>, vector<16xf32>,
      %get3A_101 = arith.constant 176 : index
      %get3A_102 = tpu.vector_load %arg12[%get3A_101] {strides = array<i32>} : memref<1024xi32, #tpu.memory_space<vmem>>, vector<16xi32>,
      %gather3A_103 = tpu.vector_load_idx %arg7[%get3A_102] : memref<100352xf32, #tpu.memory_space<vmem>>[vector<16xi32>], vector<16xf32>,
      %swap3A_104 = arith.constant 176 : index
      %swap3A_105 = tpu.vector_load %arg13[%swap3A_104] {strides = array<i32>} : memref<1024xf32, #tpu.memory_space<vmem>>, vector<16xf32>,
      tpu.vector_store %arg13[%swap3A_104], %gather3A_103 {strides = array<i32>} : memref<1024xf32, #tpu.memory_space<vmem>>, vector<16xf32>,
      %get3A_106 = arith.constant 192 : index
      %get3A_107 = tpu.vector_load %arg12[%get3A_106] {strides = array<i32>} : memref<1024xi32, #tpu.memory_space<vmem>>, vector<16xi32>,
      %gather3A_108 = tpu.vector_load_idx %arg7[%get3A_107] : memref<100352xf32, #tpu.memory_space<vmem>>[vector<16xi32>], vector<16xf32>,
      %swap3A_109 = arith.constant 192 : index
      %swap3A_110 = tpu.vector_load %arg13[%swap3A_109] {strides = array<i32>} : memref<1024xf32, #tpu.memory_space<vmem>>, vector<16xf32>,
      tpu.vector_store %arg13[%swap3A_109], %gather3A_108 {strides = array<i32>} : memref<1024xf32, #tpu.memory_space<vmem>>, vector<16xf32>,
      %get3A_111 = arith.constant 208 : index
      %get3A_112 = tpu.vector_load %arg12[%get3A_111] {strides = array<i32>} : memref<1024xi32, #tpu.memory_space<vmem>>, vector<16xi32>,
      %gather3A_113 = tpu.vector_load_idx %arg7[%get3A_112] : memref<100352xf32, #tpu.memory_space<vmem>>[vector<16xi32>], vector<16xf32>,
      %swap3A_114 = arith.constant 208 : index
      %swap3A_115 = tpu.vector_load %arg13[%swap3A_114] {strides = array<i32>} : memref<1024xf32, #tpu.memory_space<vmem>>, vector<16xf32>,
      tpu.vector_store %arg13[%swap3A_114], %gather3A_113 {strides = array<i32>} : memref<1024xf32, #tpu.memory_space<vmem>>, vector<16xf32>,
      %get3A_116 = arith.constant 224 : index
      %get3A_117 = tpu.vector_load %arg12[%get3A_116] {strides = array<i32>} : memref<1024xi32, #tpu.memory_space<vmem>>, vector<16xi32>,
      %gather3A_118 = tpu.vector_load_idx %arg7[%get3A_117] : memref<100352xf32, #tpu.memory_space<vmem>>[vector<16xi32>], vector<16xf32>,
      %swap3A_119 = arith.constant 224 : index
      %swap3A_120 = tpu.vector_load %arg13[%swap3A_119] {strides = array<i32>} : memref<1024xf32, #tpu.memory_space<vmem>>, vector<16xf32>,
      tpu.vector_store %arg13[%swap3A_119], %gather3A_118 {strides = array<i32>} : memref<1024xf32, #tpu.memory_space<vmem>>, vector<16xf32>,
      %get3A_121 = arith.constant 240 : index
      %get3A_122 = tpu.vector_load %arg12[%get3A_121] {strides = array<i32>} : memref<1024xi32, #tpu.memory_space<vmem>>, vector<16xi32>,
      %gather3A_123 = tpu.vector_load_idx %arg7[%get3A_122] : memref<100352xf32, #tpu.memory_space<vmem>>[vector<16xi32>], vector<16xf32>,
      %swap3A_124 = arith.constant 240 : index
      %swap3A_125 = tpu.vector_load %arg13[%swap3A_124] {strides = array<i32>} : memref<1024xf32, #tpu.memory_space<vmem>>, vector<16xf32>,
      tpu.vector_store %arg13[%swap3A_124], %gather3A_123 {strides = array<i32>} : memref<1024xf32, #tpu.memory_space<vmem>>, vector<16xf32>,
      %get3A_126 = arith.constant 256 : index
      %get3A_127 = tpu.vector_load %arg12[%get3A_126] {strides = array<i32>} : memref<1024xi32, #tpu.memory_space<vmem>>, vector<16xi32>,
      %gather3A_128 = tpu.vector_load_idx %arg7[%get3A_127] : memref<100352xf32, #tpu.memory_space<vmem>>[vector<16xi32>], vector<16xf32>,
      %swap3A_129 = arith.constant 256 : index
      %swap3A_130 = tpu.vector_load %arg13[%swap3A_129] {strides = array<i32>} : memref<1024xf32, #tpu.memory_space<vmem>>, vector<16xf32>,
      tpu.vector_store %arg13[%swap3A_129], %gather3A_128 {strides = array<i32>} : memref<1024xf32, #tpu.memory_space<vmem>>, vector<16xf32>,
      %get3A_131 = arith.constant 272 : index
      %get3A_132 = tpu.vector_load %arg12[%get3A_131] {strides = array<i32>} : memref<1024xi32, #tpu.memory_space<vmem>>, vector<16xi32>,
      %gather3A_133 = tpu.vector_load_idx %arg7[%get3A_132] : memref<100352xf32, #tpu.memory_space<vmem>>[vector<16xi32>], vector<16xf32>,
      %swap3A_134 = arith.constant 272 : index
      %swap3A_135 = tpu.vector_load %arg13[%swap3A_134] {strides = array<i32>} : memref<1024xf32, #tpu.memory_space<vmem>>, vector<16xf32>,
      tpu.vector_store %arg13[%swap3A_134], %gather3A_133 {strides = array<i32>} : memref<1024xf32, #tpu.memory_space<vmem>>, vector<16xf32>,
      %get3A_136 = arith.constant 288 : index
      %get3A_137 = tpu.vector_load %arg12[%get3A_136] {strides = array<i32>} : memref<1024xi32, #tpu.memory_space<vmem>>, vector<16xi32>,
      %gather3A_138 = tpu.vector_load_idx %arg7[%get3A_137] : memref<100352xf32, #tpu.memory_space<vmem>>[vector<16xi32>], vector<16xf32>,
      %swap3A_139 = arith.constant 288 : index
      %swap3A_140 = tpu.vector_load %arg13[%swap3A_139] {strides = array<i32>} : memref<1024xf32, #tpu.memory_space<vmem>>, vector<16xf32>,
      tpu.vector_store %arg13[%swap3A_139], %gather3A_138 {strides = array<i32>} : memref<1024xf32, #tpu.memory_space<vmem>>, vector<16xf32>,
      %get3A_141 = arith.constant 304 : index
      %get3A_142 = tpu.vector_load %arg12[%get3A_141] {strides = array<i32>} : memref<1024xi32, #tpu.memory_space<vmem>>, vector<16xi32>,
      %gather3A_143 = tpu.vector_load_idx %arg7[%get3A_142] : memref<100352xf32, #tpu.memory_space<vmem>>[vector<16xi32>], vector<16xf32>,
      %swap3A_144 = arith.constant 304 : index
      %swap3A_145 = tpu.vector_load %arg13[%swap3A_144] {strides = array<i32>} : memref<1024xf32, #tpu.memory_space<vmem>>, vector<16xf32>,
      tpu.vector_store %arg13[%swap3A_144], %gather3A_143 {strides = array<i32>} : memref<1024xf32, #tpu.memory_space<vmem>>, vector<16xf32>,
      %get3A_146 = arith.constant 320 : index
      %get3A_147 = tpu.vector_load %arg12[%get3A_146] {strides = array<i32>} : memref<1024xi32, #tpu.memory_space<vmem>>, vector<16xi32>,
      %gather3A_148 = tpu.vector_load_idx %arg7[%get3A_147] : memref<100352xf32, #tpu.memory_space<vmem>>[vector<16xi32>], vector<16xf32>,
      %swap3A_149 = arith.constant 320 : index
      %swap3A_150 = tpu.vector_load %arg13[%swap3A_149] {strides = array<i32>} : memref<1024xf32, #tpu.memory_space<vmem>>, vector<16xf32>,
      tpu.vector_store %arg13[%swap3A_149], %gather3A_148 {strides = array<i32>} : memref<1024xf32, #tpu.memory_space<vmem>>, vector<16xf32>,
      %get3A_151 = arith.constant 336 : index
      %get3A_152 = tpu.vector_load %arg12[%get3A_151] {strides = array<i32>} : memref<1024xi32, #tpu.memory_space<vmem>>, vector<16xi32>,
      %gather3A_153 = tpu.vector_load_idx %arg7[%get3A_152] : memref<100352xf32, #tpu.memory_space<vmem>>[vector<16xi32>], vector<16xf32>,
      %swap3A_154 = arith.constant 336 : index
      %swap3A_155 = tpu.vector_load %arg13[%swap3A_154] {strides = array<i32>} : memref<1024xf32, #tpu.memory_space<vmem>>, vector<16xf32>,
      tpu.vector_store %arg13[%swap3A_154], %gather3A_153 {strides = array<i32>} : memref<1024xf32, #tpu.memory_space<vmem>>, vector<16xf32>,
      %get3A_156 = arith.constant 352 : index
      %get3A_157 = tpu.vector_load %arg12[%get3A_156] {strides = array<i32>} : memref<1024xi32, #tpu.memory_space<vmem>>, vector<16xi32>,
      %gather3A_158 = tpu.vector_load_idx %arg7[%get3A_157] : memref<100352xf32, #tpu.memory_space<vmem>>[vector<16xi32>], vector<16xf32>,
      %swap3A_159 = arith.constant 352 : index
      %swap3A_160 = tpu.vector_load %arg13[%swap3A_159] {strides = array<i32>} : memref<1024xf32, #tpu.memory_space<vmem>>, vector<16xf32>,
      tpu.vector_store %arg13[%swap3A_159], %gather3A_158 {strides = array<i32>} : memref<1024xf32, #tpu.memory_space<vmem>>, vector<16xf32>,
      %get3A_161 = arith.constant 368 : index
      %get3A_162 = tpu.vector_load %arg12[%get3A_161] {strides = array<i32>} : memref<1024xi32, #tpu.memory_space<vmem>>, vector<16xi32>,
      %gather3A_163 = tpu.vector_load_idx %arg7[%get3A_162] : memref<100352xf32, #tpu.memory_space<vmem>>[vector<16xi32>], vector<16xf32>,
      %swap3A_164 = arith.constant 368 : index
      %swap3A_165 = tpu.vector_load %arg13[%swap3A_164] {strides = array<i32>} : memref<1024xf32, #tpu.memory_space<vmem>>, vector<16xf32>,
      tpu.vector_store %arg13[%swap3A_164], %gather3A_163 {strides = array<i32>} : memref<1024xf32, #tpu.memory_space<vmem>>, vector<16xf32>,
      %get3A_166 = arith.constant 384 : index
      %get3A_167 = tpu.vector_load %arg12[%get3A_166] {strides = array<i32>} : memref<1024xi32, #tpu.memory_space<vmem>>, vector<16xi32>,
      %gather3A_168 = tpu.vector_load_idx %arg7[%get3A_167] : memref<100352xf32, #tpu.memory_space<vmem>>[vector<16xi32>], vector<16xf32>,
      %swap3A_169 = arith.constant 384 : index
      %swap3A_170 = tpu.vector_load %arg13[%swap3A_169] {strides = array<i32>} : memref<1024xf32, #tpu.memory_space<vmem>>, vector<16xf32>,
      tpu.vector_store %arg13[%swap3A_169], %gather3A_168 {strides = array<i32>} : memref<1024xf32, #tpu.memory_space<vmem>>, vector<16xf32>,
      %get3A_171 = arith.constant 400 : index
      %get3A_172 = tpu.vector_load %arg12[%get3A_171] {strides = array<i32>} : memref<1024xi32, #tpu.memory_space<vmem>>, vector<16xi32>,
      %gather3A_173 = tpu.vector_load_idx %arg7[%get3A_172] : memref<100352xf32, #tpu.memory_space<vmem>>[vector<16xi32>], vector<16xf32>,
      %swap3A_174 = arith.constant 400 : index
      %swap3A_175 = tpu.vector_load %arg13[%swap3A_174] {strides = array<i32>} : memref<1024xf32, #tpu.memory_space<vmem>>, vector<16xf32>,
      tpu.vector_store %arg13[%swap3A_174], %gather3A_173 {strides = array<i32>} : memref<1024xf32, #tpu.memory_space<vmem>>, vector<16xf32>,
      %get3A_176 = arith.constant 416 : index
      %get3A_177 = tpu.vector_load %arg12[%get3A_176] {strides = array<i32>} : memref<1024xi32, #tpu.memory_space<vmem>>, vector<16xi32>,
      %gather3A_178 = tpu.vector_load_idx %arg7[%get3A_177] : memref<100352xf32, #tpu.memory_space<vmem>>[vector<16xi32>], vector<16xf32>,
      %swap3A_179 = arith.constant 416 : index
      %swap3A_180 = tpu.vector_load %arg13[%swap3A_179] {strides = array<i32>} : memref<1024xf32, #tpu.memory_space<vmem>>, vector<16xf32>,
      tpu.vector_store %arg13[%swap3A_179], %gather3A_178 {strides = array<i32>} : memref<1024xf32, #tpu.memory_space<vmem>>, vector<16xf32>,
      %get3A_181 = arith.constant 432 : index
      %get3A_182 = tpu.vector_load %arg12[%get3A_181] {strides = array<i32>} : memref<1024xi32, #tpu.memory_space<vmem>>, vector<16xi32>,
      %gather3A_183 = tpu.vector_load_idx %arg7[%get3A_182] : memref<100352xf32, #tpu.memory_space<vmem>>[vector<16xi32>], vector<16xf32>,
      %swap3A_184 = arith.constant 432 : index
      %swap3A_185 = tpu.vector_load %arg13[%swap3A_184] {strides = array<i32>} : memref<1024xf32, #tpu.memory_space<vmem>>, vector<16xf32>,
      tpu.vector_store %arg13[%swap3A_184], %gather3A_183 {strides = array<i32>} : memref<1024xf32, #tpu.memory_space<vmem>>, vector<16xf32>,
      %get3A_186 = arith.constant 448 : index
      %get3A_187 = tpu.vector_load %arg12[%get3A_186] {strides = array<i32>} : memref<1024xi32, #tpu.memory_space<vmem>>, vector<16xi32>,
      %gather3A_188 = tpu.vector_load_idx %arg7[%get3A_187] : memref<100352xf32, #tpu.memory_space<vmem>>[vector<16xi32>], vector<16xf32>,
      %swap3A_189 = arith.constant 448 : index
      %swap3A_190 = tpu.vector_load %arg13[%swap3A_189] {strides = array<i32>} : memref<1024xf32, #tpu.memory_space<vmem>>, vector<16xf32>,
      tpu.vector_store %arg13[%swap3A_189], %gather3A_188 {strides = array<i32>} : memref<1024xf32, #tpu.memory_space<vmem>>, vector<16xf32>,
      %get3A_191 = arith.constant 464 : index
      %get3A_192 = tpu.vector_load %arg12[%get3A_191] {strides = array<i32>} : memref<1024xi32, #tpu.memory_space<vmem>>, vector<16xi32>,
      %gather3A_193 = tpu.vector_load_idx %arg7[%get3A_192] : memref<100352xf32, #tpu.memory_space<vmem>>[vector<16xi32>], vector<16xf32>,
      %swap3A_194 = arith.constant 464 : index
      %swap3A_195 = tpu.vector_load %arg13[%swap3A_194] {strides = array<i32>} : memref<1024xf32, #tpu.memory_space<vmem>>, vector<16xf32>,
      tpu.vector_store %arg13[%swap3A_194], %gather3A_193 {strides = array<i32>} : memref<1024xf32, #tpu.memory_space<vmem>>, vector<16xf32>,
      %get3A_196 = arith.constant 480 : index
      %get3A_197 = tpu.vector_load %arg12[%get3A_196] {strides = array<i32>} : memref<1024xi32, #tpu.memory_space<vmem>>, vector<16xi32>,
      %gather3A_198 = tpu.vector_load_idx %arg7[%get3A_197] : memref<100352xf32, #tpu.memory_space<vmem>>[vector<16xi32>], vector<16xf32>,
      %swap3A_199 = arith.constant 480 : index
      %swap3A_200 = tpu.vector_load %arg13[%swap3A_199] {strides = array<i32>} : memref<1024xf32, #tpu.memory_space<vmem>>, vector<16xf32>,
      tpu.vector_store %arg13[%swap3A_199], %gather3A_198 {strides = array<i32>} : memref<1024xf32, #tpu.memory_space<vmem>>, vector<16xf32>,
      %get3A_201 = arith.constant 496 : index
      %get3A_202 = tpu.vector_load %arg12[%get3A_201] {strides = array<i32>} : memref<1024xi32, #tpu.memory_space<vmem>>, vector<16xi32>,
      %gather3A_203 = tpu.vector_load_idx %arg7[%get3A_202] : memref<100352xf32, #tpu.memory_space<vmem>>[vector<16xi32>], vector<16xf32>,
      %swap3A_204 = arith.constant 496 : index
      %swap3A_205 = tpu.vector_load %arg13[%swap3A_204] {strides = array<i32>} : memref<1024xf32, #tpu.memory_space<vmem>>, vector<16xf32>,
      tpu.vector_store %arg13[%swap3A_204], %gather3A_203 {strides = array<i32>} : memref<1024xf32, #tpu.memory_space<vmem>>, vector<16xf32>,
      %get3A_206 = arith.constant 512 : index
      %get3A_207 = tpu.vector_load %arg12[%get3A_206] {strides = array<i32>} : memref<1024xi32, #tpu.memory_space<vmem>>, vector<16xi32>,
      %gather3A_208 = tpu.vector_load_idx %arg7[%get3A_207] : memref<100352xf32, #tpu.memory_space<vmem>>[vector<16xi32>], vector<16xf32>,
      %swap3A_209 = arith.constant 512 : index
      %swap3A_210 = tpu.vector_load %arg13[%swap3A_209] {strides = array<i32>} : memref<1024xf32, #tpu.memory_space<vmem>>, vector<16xf32>,
      tpu.vector_store %arg13[%swap3A_209], %gather3A_208 {strides = array<i32>} : memref<1024xf32, #tpu.memory_space<vmem>>, vector<16xf32>,
      %get3A_211 = arith.constant 528 : index
      %get3A_212 = tpu.vector_load %arg12[%get3A_211] {strides = array<i32>} : memref<1024xi32, #tpu.memory_space<vmem>>, vector<16xi32>,
      %gather3A_213 = tpu.vector_load_idx %arg7[%get3A_212] : memref<100352xf32, #tpu.memory_space<vmem>>[vector<16xi32>], vector<16xf32>,
      %swap3A_214 = arith.constant 528 : index
      %swap3A_215 = tpu.vector_load %arg13[%swap3A_214] {strides = array<i32>} : memref<1024xf32, #tpu.memory_space<vmem>>, vector<16xf32>,
      tpu.vector_store %arg13[%swap3A_214], %gather3A_213 {strides = array<i32>} : memref<1024xf32, #tpu.memory_space<vmem>>, vector<16xf32>,
      %get3A_216 = arith.constant 544 : index
      %get3A_217 = tpu.vector_load %arg12[%get3A_216] {strides = array<i32>} : memref<1024xi32, #tpu.memory_space<vmem>>, vector<16xi32>,
      %gather3A_218 = tpu.vector_load_idx %arg7[%get3A_217] : memref<100352xf32, #tpu.memory_space<vmem>>[vector<16xi32>], vector<16xf32>,
      %swap3A_219 = arith.constant 544 : index
      %swap3A_220 = tpu.vector_load %arg13[%swap3A_219] {strides = array<i32>} : memref<1024xf32, #tpu.memory_space<vmem>>, vector<16xf32>,
      tpu.vector_store %arg13[%swap3A_219], %gather3A_218 {strides = array<i32>} : memref<1024xf32, #tpu.memory_space<vmem>>, vector<16xf32>,
      %get3A_221 = arith.constant 560 : index
      %get3A_222 = tpu.vector_load %arg12[%get3A_221] {strides = array<i32>} : memref<1024xi32, #tpu.memory_space<vmem>>, vector<16xi32>,
      %gather3A_223 = tpu.vector_load_idx %arg7[%get3A_222] : memref<100352xf32, #tpu.memory_space<vmem>>[vector<16xi32>], vector<16xf32>,
      %swap3A_224 = arith.constant 560 : index
      %swap3A_225 = tpu.vector_load %arg13[%swap3A_224] {strides = array<i32>} : memref<1024xf32, #tpu.memory_space<vmem>>, vector<16xf32>,
      tpu.vector_store %arg13[%swap3A_224], %gather3A_223 {strides = array<i32>} : memref<1024xf32, #tpu.memory_space<vmem>>, vector<16xf32>,
      %get3A_226 = arith.constant 576 : index
      %get3A_227 = tpu.vector_load %arg12[%get3A_226] {strides = array<i32>} : memref<1024xi32, #tpu.memory_space<vmem>>, vector<16xi32>,
      %gather3A_228 = tpu.vector_load_idx %arg7[%get3A_227] : memref<100352xf32, #tpu.memory_space<vmem>>[vector<16xi32>], vector<16xf32>,
      %swap3A_229 = arith.constant 576 : index
      %swap3A_230 = tpu.vector_load %arg13[%swap3A_229] {strides = array<i32>} : memref<1024xf32, #tpu.memory_space<vmem>>, vector<16xf32>,
      tpu.vector_store %arg13[%swap3A_229], %gather3A_228 {strides = array<i32>} : memref<1024xf32, #tpu.memory_space<vmem>>, vector<16xf32>,
      %get3A_231 = arith.constant 592 : index
      %get3A_232 = tpu.vector_load %arg12[%get3A_231] {strides = array<i32>} : memref<1024xi32, #tpu.memory_space<vmem>>, vector<16xi32>,
      %gather3A_233 = tpu.vector_load_idx %arg7[%get3A_232] : memref<100352xf32, #tpu.memory_space<vmem>>[vector<16xi32>], vector<16xf32>,
      %swap3A_234 = arith.constant 592 : index
      %swap3A_235 = tpu.vector_load %arg13[%swap3A_234] {strides = array<i32>} : memref<1024xf32, #tpu.memory_space<vmem>>, vector<16xf32>,
      tpu.vector_store %arg13[%swap3A_234], %gather3A_233 {strides = array<i32>} : memref<1024xf32, #tpu.memory_space<vmem>>, vector<16xf32>,
      %get3A_236 = arith.constant 608 : index
      %get3A_237 = tpu.vector_load %arg12[%get3A_236] {strides = array<i32>} : memref<1024xi32, #tpu.memory_space<vmem>>, vector<16xi32>,
      %gather3A_238 = tpu.vector_load_idx %arg7[%get3A_237] : memref<100352xf32, #tpu.memory_space<vmem>>[vector<16xi32>], vector<16xf32>,
      %swap3A_239 = arith.constant 608 : index
      %swap3A_240 = tpu.vector_load %arg13[%swap3A_239] {strides = array<i32>} : memref<1024xf32, #tpu.memory_space<vmem>>, vector<16xf32>,
      tpu.vector_store %arg13[%swap3A_239], %gather3A_238 {strides = array<i32>} : memref<1024xf32, #tpu.memory_space<vmem>>, vector<16xf32>,
      %get3A_241 = arith.constant 624 : index
      %get3A_242 = tpu.vector_load %arg12[%get3A_241] {strides = array<i32>} : memref<1024xi32, #tpu.memory_space<vmem>>, vector<16xi32>,
      %gather3A_243 = tpu.vector_load_idx %arg7[%get3A_242] : memref<100352xf32, #tpu.memory_space<vmem>>[vector<16xi32>], vector<16xf32>,
      %swap3A_244 = arith.constant 624 : index
      %swap3A_245 = tpu.vector_load %arg13[%swap3A_244] {strides = array<i32>} : memref<1024xf32, #tpu.memory_space<vmem>>, vector<16xf32>,
      tpu.vector_store %arg13[%swap3A_244], %gather3A_243 {strides = array<i32>} : memref<1024xf32, #tpu.memory_space<vmem>>, vector<16xf32>,
      %get3A_246 = arith.constant 640 : index
      %get3A_247 = tpu.vector_load %arg12[%get3A_246] {strides = array<i32>} : memref<1024xi32, #tpu.memory_space<vmem>>, vector<16xi32>,
      %gather3A_248 = tpu.vector_load_idx %arg7[%get3A_247] : memref<100352xf32, #tpu.memory_space<vmem>>[vector<16xi32>], vector<16xf32>,
      %swap3A_249 = arith.constant 640 : index
      %swap3A_250 = tpu.vector_load %arg13[%swap3A_249] {strides = array<i32>} : memref<1024xf32, #tpu.memory_space<vmem>>, vector<16xf32>,
      tpu.vector_store %arg13[%swap3A_249], %gather3A_248 {strides = array<i32>} : memref<1024xf32, #tpu.memory_space<vmem>>, vector<16xf32>,
      %get3A_251 = arith.constant 656 : index
      %get3A_252 = tpu.vector_load %arg12[%get3A_251] {strides = array<i32>} : memref<1024xi32, #tpu.memory_space<vmem>>, vector<16xi32>,
      %gather3A_253 = tpu.vector_load_idx %arg7[%get3A_252] : memref<100352xf32, #tpu.memory_space<vmem>>[vector<16xi32>], vector<16xf32>,
      %swap3A_254 = arith.constant 656 : index
      %swap3A_255 = tpu.vector_load %arg13[%swap3A_254] {strides = array<i32>} : memref<1024xf32, #tpu.memory_space<vmem>>, vector<16xf32>,
      tpu.vector_store %arg13[%swap3A_254], %gather3A_253 {strides = array<i32>} : memref<1024xf32, #tpu.memory_space<vmem>>, vector<16xf32>,
      %get3A_256 = arith.constant 672 : index
      %get3A_257 = tpu.vector_load %arg12[%get3A_256] {strides = array<i32>} : memref<1024xi32, #tpu.memory_space<vmem>>, vector<16xi32>,
      %gather3A_258 = tpu.vector_load_idx %arg7[%get3A_257] : memref<100352xf32, #tpu.memory_space<vmem>>[vector<16xi32>], vector<16xf32>,
      %swap3A_259 = arith.constant 672 : index
      %swap3A_260 = tpu.vector_load %arg13[%swap3A_259] {strides = array<i32>} : memref<1024xf32, #tpu.memory_space<vmem>>, vector<16xf32>,
      tpu.vector_store %arg13[%swap3A_259], %gather3A_258 {strides = array<i32>} : memref<1024xf32, #tpu.memory_space<vmem>>, vector<16xf32>,
      %get3A_261 = arith.constant 688 : index
      %get3A_262 = tpu.vector_load %arg12[%get3A_261] {strides = array<i32>} : memref<1024xi32, #tpu.memory_space<vmem>>, vector<16xi32>,
      %gather3A_263 = tpu.vector_load_idx %arg7[%get3A_262] : memref<100352xf32, #tpu.memory_space<vmem>>[vector<16xi32>], vector<16xf32>,
      %swap3A_264 = arith.constant 688 : index
      %swap3A_265 = tpu.vector_load %arg13[%swap3A_264] {strides = array<i32>} : memref<1024xf32, #tpu.memory_space<vmem>>, vector<16xf32>,
      tpu.vector_store %arg13[%swap3A_264], %gather3A_263 {strides = array<i32>} : memref<1024xf32, #tpu.memory_space<vmem>>, vector<16xf32>,
      %get3A_266 = arith.constant 704 : index
      %get3A_267 = tpu.vector_load %arg12[%get3A_266] {strides = array<i32>} : memref<1024xi32, #tpu.memory_space<vmem>>, vector<16xi32>,
      %gather3A_268 = tpu.vector_load_idx %arg7[%get3A_267] : memref<100352xf32, #tpu.memory_space<vmem>>[vector<16xi32>], vector<16xf32>,
      %swap3A_269 = arith.constant 704 : index
      %swap3A_270 = tpu.vector_load %arg13[%swap3A_269] {strides = array<i32>} : memref<1024xf32, #tpu.memory_space<vmem>>, vector<16xf32>,
      tpu.vector_store %arg13[%swap3A_269], %gather3A_268 {strides = array<i32>} : memref<1024xf32, #tpu.memory_space<vmem>>, vector<16xf32>,
      %get3A_271 = arith.constant 720 : index
      %get3A_272 = tpu.vector_load %arg12[%get3A_271] {strides = array<i32>} : memref<1024xi32, #tpu.memory_space<vmem>>, vector<16xi32>,
      %gather3A_273 = tpu.vector_load_idx %arg7[%get3A_272] : memref<100352xf32, #tpu.memory_space<vmem>>[vector<16xi32>], vector<16xf32>,
      %swap3A_274 = arith.constant 720 : index
      %swap3A_275 = tpu.vector_load %arg13[%swap3A_274] {strides = array<i32>} : memref<1024xf32, #tpu.memory_space<vmem>>, vector<16xf32>,
      tpu.vector_store %arg13[%swap3A_274], %gather3A_273 {strides = array<i32>} : memref<1024xf32, #tpu.memory_space<vmem>>, vector<16xf32>,
      %get3A_276 = arith.constant 736 : index
      %get3A_277 = tpu.vector_load %arg12[%get3A_276] {strides = array<i32>} : memref<1024xi32, #tpu.memory_space<vmem>>, vector<16xi32>,
      %gather3A_278 = tpu.vector_load_idx %arg7[%get3A_277] : memref<100352xf32, #tpu.memory_space<vmem>>[vector<16xi32>], vector<16xf32>,
      %swap3A_279 = arith.constant 736 : index
      %swap3A_280 = tpu.vector_load %arg13[%swap3A_279] {strides = array<i32>} : memref<1024xf32, #tpu.memory_space<vmem>>, vector<16xf32>,
      tpu.vector_store %arg13[%swap3A_279], %gather3A_278 {strides = array<i32>} : memref<1024xf32, #tpu.memory_space<vmem>>, vector<16xf32>,
      %get3A_281 = arith.constant 752 : index
      %get3A_282 = tpu.vector_load %arg12[%get3A_281] {strides = array<i32>} : memref<1024xi32, #tpu.memory_space<vmem>>, vector<16xi32>,
      %gather3A_283 = tpu.vector_load_idx %arg7[%get3A_282] : memref<100352xf32, #tpu.memory_space<vmem>>[vector<16xi32>], vector<16xf32>,
      %swap3A_284 = arith.constant 752 : index
      %swap3A_285 = tpu.vector_load %arg13[%swap3A_284] {strides = array<i32>} : memref<1024xf32, #tpu.memory_space<vmem>>, vector<16xf32>,
      tpu.vector_store %arg13[%swap3A_284], %gather3A_283 {strides = array<i32>} : memref<1024xf32, #tpu.memory_space<vmem>>, vector<16xf32>,
      %get3A_286 = arith.constant 768 : index
      %get3A_287 = tpu.vector_load %arg12[%get3A_286] {strides = array<i32>} : memref<1024xi32, #tpu.memory_space<vmem>>, vector<16xi32>,
      %gather3A_288 = tpu.vector_load_idx %arg7[%get3A_287] : memref<100352xf32, #tpu.memory_space<vmem>>[vector<16xi32>], vector<16xf32>,
      %swap3A_289 = arith.constant 768 : index
      %swap3A_290 = tpu.vector_load %arg13[%swap3A_289] {strides = array<i32>} : memref<1024xf32, #tpu.memory_space<vmem>>, vector<16xf32>,
      tpu.vector_store %arg13[%swap3A_289], %gather3A_288 {strides = array<i32>} : memref<1024xf32, #tpu.memory_space<vmem>>, vector<16xf32>,
      %get3A_291 = arith.constant 784 : index
      %get3A_292 = tpu.vector_load %arg12[%get3A_291] {strides = array<i32>} : memref<1024xi32, #tpu.memory_space<vmem>>, vector<16xi32>,
      %gather3A_293 = tpu.vector_load_idx %arg7[%get3A_292] : memref<100352xf32, #tpu.memory_space<vmem>>[vector<16xi32>], vector<16xf32>,
      %swap3A_294 = arith.constant 784 : index
      %swap3A_295 = tpu.vector_load %arg13[%swap3A_294] {strides = array<i32>} : memref<1024xf32, #tpu.memory_space<vmem>>, vector<16xf32>,
      tpu.vector_store %arg13[%swap3A_294], %gather3A_293 {strides = array<i32>} : memref<1024xf32, #tpu.memory_space<vmem>>, vector<16xf32>,
      %get3A_296 = arith.constant 800 : index
      %get3A_297 = tpu.vector_load %arg12[%get3A_296] {strides = array<i32>} : memref<1024xi32, #tpu.memory_space<vmem>>, vector<16xi32>,
      %gather3A_298 = tpu.vector_load_idx %arg7[%get3A_297] : memref<100352xf32, #tpu.memory_space<vmem>>[vector<16xi32>], vector<16xf32>,
      %swap3A_299 = arith.constant 800 : index
      %swap3A_300 = tpu.vector_load %arg13[%swap3A_299] {strides = array<i32>} : memref<1024xf32, #tpu.memory_space<vmem>>, vector<16xf32>,
      tpu.vector_store %arg13[%swap3A_299], %gather3A_298 {strides = array<i32>} : memref<1024xf32, #tpu.memory_space<vmem>>, vector<16xf32>,
      %get3A_301 = arith.constant 816 : index
      %get3A_302 = tpu.vector_load %arg12[%get3A_301] {strides = array<i32>} : memref<1024xi32, #tpu.memory_space<vmem>>, vector<16xi32>,
      %gather3A_303 = tpu.vector_load_idx %arg7[%get3A_302] : memref<100352xf32, #tpu.memory_space<vmem>>[vector<16xi32>], vector<16xf32>,
      %swap3A_304 = arith.constant 816 : index
      %swap3A_305 = tpu.vector_load %arg13[%swap3A_304] {strides = array<i32>} : memref<1024xf32, #tpu.memory_space<vmem>>, vector<16xf32>,
      tpu.vector_store %arg13[%swap3A_304], %gather3A_303 {strides = array<i32>} : memref<1024xf32, #tpu.memory_space<vmem>>, vector<16xf32>,
      %get3A_306 = arith.constant 832 : index
      %get3A_307 = tpu.vector_load %arg12[%get3A_306] {strides = array<i32>} : memref<1024xi32, #tpu.memory_space<vmem>>, vector<16xi32>,
      %gather3A_308 = tpu.vector_load_idx %arg7[%get3A_307] : memref<100352xf32, #tpu.memory_space<vmem>>[vector<16xi32>], vector<16xf32>,
      %swap3A_309 = arith.constant 832 : index
      %swap3A_310 = tpu.vector_load %arg13[%swap3A_309] {strides = array<i32>} : memref<1024xf32, #tpu.memory_space<vmem>>, vector<16xf32>,
      tpu.vector_store %arg13[%swap3A_309], %gather3A_308 {strides = array<i32>} : memref<1024xf32, #tpu.memory_space<vmem>>, vector<16xf32>,
      %get3A_311 = arith.constant 848 : index
      %get3A_312 = tpu.vector_load %arg12[%get3A_311] {strides = array<i32>} : memref<1024xi32, #tpu.memory_space<vmem>>, vector<16xi32>,
      %gather3A_313 = tpu.vector_load_idx %arg7[%get3A_312] : memref<100352xf32, #tpu.memory_space<vmem>>[vector<16xi32>], vector<16xf32>,
      %swap3A_314 = arith.constant 848 : index
      %swap3A_315 = tpu.vector_load %arg13[%swap3A_314] {strides = array<i32>} : memref<1024xf32, #tpu.memory_space<vmem>>, vector<16xf32>,
      tpu.vector_store %arg13[%swap3A_314], %gather3A_313 {strides = array<i32>} : memref<1024xf32, #tpu.memory_space<vmem>>, vector<16xf32>,
      %get3A_316 = arith.constant 864 : index
      %get3A_317 = tpu.vector_load %arg12[%get3A_316] {strides = array<i32>} : memref<1024xi32, #tpu.memory_space<vmem>>, vector<16xi32>,
      %gather3A_318 = tpu.vector_load_idx %arg7[%get3A_317] : memref<100352xf32, #tpu.memory_space<vmem>>[vector<16xi32>], vector<16xf32>,
      %swap3A_319 = arith.constant 864 : index
      %swap3A_320 = tpu.vector_load %arg13[%swap3A_319] {strides = array<i32>} : memref<1024xf32, #tpu.memory_space<vmem>>, vector<16xf32>,
      tpu.vector_store %arg13[%swap3A_319], %gather3A_318 {strides = array<i32>} : memref<1024xf32, #tpu.memory_space<vmem>>, vector<16xf32>,
      %get3A_321 = arith.constant 880 : index
      %get3A_322 = tpu.vector_load %arg12[%get3A_321] {strides = array<i32>} : memref<1024xi32, #tpu.memory_space<vmem>>, vector<16xi32>,
      %gather3A_323 = tpu.vector_load_idx %arg7[%get3A_322] : memref<100352xf32, #tpu.memory_space<vmem>>[vector<16xi32>], vector<16xf32>,
      %swap3A_324 = arith.constant 880 : index
      %swap3A_325 = tpu.vector_load %arg13[%swap3A_324] {strides = array<i32>} : memref<1024xf32, #tpu.memory_space<vmem>>, vector<16xf32>,
      tpu.vector_store %arg13[%swap3A_324], %gather3A_323 {strides = array<i32>} : memref<1024xf32, #tpu.memory_space<vmem>>, vector<16xf32>,
      %get3A_326 = arith.constant 896 : index
      %get3A_327 = tpu.vector_load %arg12[%get3A_326] {strides = array<i32>} : memref<1024xi32, #tpu.memory_space<vmem>>, vector<16xi32>,
      %gather3A_328 = tpu.vector_load_idx %arg7[%get3A_327] : memref<100352xf32, #tpu.memory_space<vmem>>[vector<16xi32>], vector<16xf32>,
      %swap3A_329 = arith.constant 896 : index
      %swap3A_330 = tpu.vector_load %arg13[%swap3A_329] {strides = array<i32>} : memref<1024xf32, #tpu.memory_space<vmem>>, vector<16xf32>,
      tpu.vector_store %arg13[%swap3A_329], %gather3A_328 {strides = array<i32>} : memref<1024xf32, #tpu.memory_space<vmem>>, vector<16xf32>,
      %get3A_331 = arith.constant 912 : index
      %get3A_332 = tpu.vector_load %arg12[%get3A_331] {strides = array<i32>} : memref<1024xi32, #tpu.memory_space<vmem>>, vector<16xi32>,
      %gather3A_333 = tpu.vector_load_idx %arg7[%get3A_332] : memref<100352xf32, #tpu.memory_space<vmem>>[vector<16xi32>], vector<16xf32>,
      %swap3A_334 = arith.constant 912 : index
      %swap3A_335 = tpu.vector_load %arg13[%swap3A_334] {strides = array<i32>} : memref<1024xf32, #tpu.memory_space<vmem>>, vector<16xf32>,
      tpu.vector_store %arg13[%swap3A_334], %gather3A_333 {strides = array<i32>} : memref<1024xf32, #tpu.memory_space<vmem>>, vector<16xf32>,
      %get3A_336 = arith.constant 928 : index
      %get3A_337 = tpu.vector_load %arg12[%get3A_336] {strides = array<i32>} : memref<1024xi32, #tpu.memory_space<vmem>>, vector<16xi32>,
      %gather3A_338 = tpu.vector_load_idx %arg7[%get3A_337] : memref<100352xf32, #tpu.memory_space<vmem>>[vector<16xi32>], vector<16xf32>,
      %swap3A_339 = arith.constant 928 : index
      %swap3A_340 = tpu.vector_load %arg13[%swap3A_339] {strides = array<i32>} : memref<1024xf32, #tpu.memory_space<vmem>>, vector<16xf32>,
      tpu.vector_store %arg13[%swap3A_339], %gather3A_338 {strides = array<i32>} : memref<1024xf32, #tpu.memory_space<vmem>>, vector<16xf32>,
      %get3A_341 = arith.constant 944 : index
      %get3A_342 = tpu.vector_load %arg12[%get3A_341] {strides = array<i32>} : memref<1024xi32, #tpu.memory_space<vmem>>, vector<16xi32>,
      %gather3A_343 = tpu.vector_load_idx %arg7[%get3A_342] : memref<100352xf32, #tpu.memory_space<vmem>>[vector<16xi32>], vector<16xf32>,
      %swap3A_344 = arith.constant 944 : index
      %swap3A_345 = tpu.vector_load %arg13[%swap3A_344] {strides = array<i32>} : memref<1024xf32, #tpu.memory_space<vmem>>, vector<16xf32>,
      tpu.vector_store %arg13[%swap3A_344], %gather3A_343 {strides = array<i32>} : memref<1024xf32, #tpu.memory_space<vmem>>, vector<16xf32>,
      %get3A_346 = arith.constant 960 : index
      %get3A_347 = tpu.vector_load %arg12[%get3A_346] {strides = array<i32>} : memref<1024xi32, #tpu.memory_space<vmem>>, vector<16xi32>,
      %gather3A_348 = tpu.vector_load_idx %arg7[%get3A_347] : memref<100352xf32, #tpu.memory_space<vmem>>[vector<16xi32>], vector<16xf32>,
      %swap3A_349 = arith.constant 960 : index
      %swap3A_350 = tpu.vector_load %arg13[%swap3A_349] {strides = array<i32>} : memref<1024xf32, #tpu.memory_space<vmem>>, vector<16xf32>,
      tpu.vector_store %arg13[%swap3A_349], %gather3A_348 {strides = array<i32>} : memref<1024xf32, #tpu.memory_space<vmem>>, vector<16xf32>,
      %get3A_351 = arith.constant 976 : index
      %get3A_352 = tpu.vector_load %arg12[%get3A_351] {strides = array<i32>} : memref<1024xi32, #tpu.memory_space<vmem>>, vector<16xi32>,
      %gather3A_353 = tpu.vector_load_idx %arg7[%get3A_352] : memref<100352xf32, #tpu.memory_space<vmem>>[vector<16xi32>], vector<16xf32>,
      %swap3A_354 = arith.constant 976 : index
      %swap3A_355 = tpu.vector_load %arg13[%swap3A_354] {strides = array<i32>} : memref<1024xf32, #tpu.memory_space<vmem>>, vector<16xf32>,
      tpu.vector_store %arg13[%swap3A_354], %gather3A_353 {strides = array<i32>} : memref<1024xf32, #tpu.memory_space<vmem>>, vector<16xf32>,
      %get3A_356 = arith.constant 992 : index
      %get3A_357 = tpu.vector_load %arg12[%get3A_356] {strides = array<i32>} : memref<1024xi32, #tpu.memory_space<vmem>>, vector<16xi32>,
      %gather3A_358 = tpu.vector_load_idx %arg7[%get3A_357] : memref<100352xf32, #tpu.memory_space<vmem>>[vector<16xi32>], vector<16xf32>,
      %swap3A_359 = arith.constant 992 : index
      %swap3A_360 = tpu.vector_load %arg13[%swap3A_359] {strides = array<i32>} : memref<1024xf32, #tpu.memory_space<vmem>>, vector<16xf32>,
      tpu.vector_store %arg13[%swap3A_359], %gather3A_358 {strides = array<i32>} : memref<1024xf32, #tpu.memory_space<vmem>>, vector<16xf32>,
      %get3A_361 = arith.constant 1008 : index
      %get3A_362 = tpu.vector_load %arg12[%get3A_361] {strides = array<i32>} : memref<1024xi32, #tpu.memory_space<vmem>>, vector<16xi32>,
      %gather3A_363 = tpu.vector_load_idx %arg7[%get3A_362] : memref<100352xf32, #tpu.memory_space<vmem>>[vector<16xi32>], vector<16xf32>,
      %swap3A_364 = arith.constant 1008 : index
      %swap3A_365 = tpu.vector_load %arg13[%swap3A_364] {strides = array<i32>} : memref<1024xf32, #tpu.memory_space<vmem>>, vector<16xf32>,
      tpu.vector_store %arg13[%swap3A_364], %gather3A_363 {strides = array<i32>} : memref<1024xf32, #tpu.memory_space<vmem>>, vector<16xf32>,
      "tpu.region"() ({
        %run_scoped3A = tpu.sem_alloc : memref<!tpu.dma_semaphore, #tpu.memory_space<semaphore_mem>>
        %dma_start3A_366 = tpu.memref_slice %arg5[%add3A_48] : memref<1015808xf32, #tpu.memory_space<hbm>> -> memref<1024xf32, #tpu.memory_space<hbm>>
        %dma_start3A_367 = tpu.memref_slice %arg5[%add3A_48] : memref<1015808xf32, #tpu.memory_space<hbm>> -> memref<1024xf32, #tpu.memory_space<hbm>>
        tpu.enqueue_dma source(%arg13 : memref<1024xf32, #tpu.memory_space<vmem>>) target(%dma_start3A_367 : memref<1024xf32, #tpu.memory_space<hbm>>) target_semaphore(%run_scoped3A : memref<!tpu.dma_semaphore, #tpu.memory_space<semaphore_mem>>)
        %dma_wait3A_368 = tpu.memref_slice %arg5[%add3A_48] : memref<1015808xf32, #tpu.memory_space<hbm>> -> memref<1024xf32, #tpu.memory_space<hbm>>
        %dma_wait3A_369 = tpu.memref_slice %arg5[%add3A_48] : memref<1015808xf32, #tpu.memory_space<hbm>> -> memref<1024xf32, #tpu.memory_space<hbm>>
        tpu.wait_dma2 semaphore(%run_scoped3A : memref<!tpu.dma_semaphore, #tpu.memory_space<semaphore_mem>>) src(%arg13 : memref<1024xf32, #tpu.memory_space<vmem>>) dst(%dma_wait3A_369 : memref<1024xf32, #tpu.memory_space<hbm>>)
        tpu.yield
      }) : () -> ()
    }
    %scan3A_40 = arith.constant 31 : i32
    "tpu.trace_stop"() : () -> ()
    return
  }
}

module attributes {stable_mosaic.version = 14 : i64} {
  func.func @_tc_body(%arg0: i32, %arg1: memref<1xf32, #tpu.memory_space<smem>>, %arg2: memref<32768xf32, #tpu.memory_space<vmem>>, %arg3: memref<32768xf32, #tpu.memory_space<vmem>>, %arg4: memref<2x32768xf32, #tpu.memory_space<vmem>>, %arg5: memref<32768xf32, #tpu.memory_space<vmem>>, %arg6: memref<32768xf32, #tpu.memory_space<vmem>>, %arg7: memref<4x32768xf32, #tpu.memory_space<vmem>>) attributes {dimension_semantics = [#tpu.dimension_semantics<arbitrary>], iteration_bounds = array<i64: 31>, scalar_prefetch = 0 : i64, scratch_operands = 0 : i64, tpu.core_type = #tpu.core_type<tc>, window_params = [{transform_indices = @transform_0, window_bounds = array<i64: 1>}, {transform_indices = @transform_1, window_bounds = array<i64: 32768>}, {transform_indices = @transform_2, window_bounds = array<i64: 32768>}, {transform_indices = @transform_3, window_bounds = array<i64: 2, 32768>}, {transform_indices = @transform_4, window_bounds = array<i64: 32768>}, {transform_indices = @transform_5, window_bounds = array<i64: 32768>}, {transform_indices = @transform_6, window_bounds = array<i64: 4, 32768>}]} {
    %get3A = arith.constant 0 : index
    %get3A_0 = memref.load %arg1[%get3A] : memref<1xf32, #tpu.memory_space<smem>>
    %broadcast_in_dim3A = vector.broadcast %get3A_0 : f32 to vector<32768xf32>
    %exp3A = math.exp %broadcast_in_dim3A : vector<32768xf32>
    %get3A_1 = arith.constant 0 : index
    %get3A_2 = vector.load %arg2[%get3A_1] : memref<32768xf32, #tpu.memory_space<vmem>>, vector<32768xf32>
    %get3A_3 = arith.constant 0 : index
    %get3A_4 = vector.load %arg3[%get3A_3] : memref<32768xf32, #tpu.memory_space<vmem>>, vector<32768xf32>
    %mul3A = arith.mulf %exp3A, %get3A_2 : vector<32768xf32>
    %mul3A_5 = arith.mulf %mul3A, %get3A_4 : vector<32768xf32>
    %mul3A_6 = arith.constant 1.000000e+00 : f32
    %mul3A_7 = vector.broadcast %mul3A_6 : f32 to vector<32768xf32>
    %mul3A_8 = arith.mulf %mul3A_5, %mul3A_7 : vector<32768xf32>
    %neg3A = arith.constant 0.000000e+00 : f32
    %neg3A_9 = vector.broadcast %neg3A : f32 to vector<32768xf32>
    %neg3A_10 = arith.subf %neg3A_9, %mul3A_8 : vector<32768xf32>
    %exp3A_11 = math.exp %neg3A_10 : vector<32768xf32>
    %add3A = arith.constant 9.99999971E-10 : f32
    %add3A_12 = vector.broadcast %add3A : f32 to vector<32768xf32>
    %add3A_13 = arith.addf %exp3A_11, %add3A_12 : vector<32768xf32>
    %log3A = math.log %add3A_13 : vector<32768xf32>
    %sub3A = arith.constant 1.000000e+00 : f32
    %sub3A_14 = vector.broadcast %sub3A : f32 to vector<32768xf32>
    %sub3A_15 = arith.subf %sub3A_14, %exp3A_11 : vector<32768xf32>
    %add3A_16 = arith.constant 9.99999971E-10 : f32
    %add3A_17 = vector.broadcast %add3A_16 : f32 to vector<32768xf32>
    %add3A_18 = arith.addf %sub3A_15, %add3A_17 : vector<32768xf32>
    %log3A_19 = math.log %add3A_18 : vector<32768xf32>
    %get3A_20 = arith.constant 0 : index
    %get3A_21 = arith.constant 0 : index
    %get3A_22 = vector.load %arg4[%get3A_20, %get3A_21] : memref<2x32768xf32, #tpu.memory_space<vmem>>, vector<1x32768xf32>
    %get3A_23 = vector.shape_cast %get3A_22 : vector<1x32768xf32> to vector<32768xf32>
    %add3A_24 = arith.constant 9.99999971E-10 : f32
    %add3A_25 = vector.broadcast %add3A_24 : f32 to vector<32768xf32>
    %add3A_26 = arith.addf %get3A_23, %add3A_25 : vector<32768xf32>
    %log3A_27 = math.log %add3A_26 : vector<32768xf32>
    %neg3A_28 = arith.constant 0.000000e+00 : f32
    %neg3A_29 = vector.broadcast %neg3A_28 : f32 to vector<32768xf32>
    %neg3A_30 = arith.subf %neg3A_29, %log3A_27 : vector<32768xf32>
    %add3A_31 = arith.constant 9.99999971E-10 : f32
    %add3A_32 = vector.broadcast %add3A_31 : f32 to vector<32768xf32>
    %add3A_33 = arith.addf %neg3A_30, %add3A_32 : vector<32768xf32>
    %log3A_34 = math.log %add3A_33 : vector<32768xf32>
    %neg3A_35 = arith.constant 0.000000e+00 : f32
    %neg3A_36 = vector.broadcast %neg3A_35 : f32 to vector<32768xf32>
    %neg3A_37 = arith.subf %neg3A_36, %log3A_34 : vector<32768xf32>
    %get3A_38 = arith.constant 1 : index
    %get3A_39 = arith.constant 0 : index
    %get3A_40 = vector.load %arg4[%get3A_38, %get3A_39] : memref<2x32768xf32, #tpu.memory_space<vmem>>, vector<1x32768xf32>
    %get3A_41 = vector.shape_cast %get3A_40 : vector<1x32768xf32> to vector<32768xf32>
    %add3A_42 = arith.constant 9.99999971E-10 : f32
    %add3A_43 = vector.broadcast %add3A_42 : f32 to vector<32768xf32>
    %add3A_44 = arith.addf %get3A_41, %add3A_43 : vector<32768xf32>
    %log3A_45 = math.log %add3A_44 : vector<32768xf32>
    %neg3A_46 = arith.constant 0.000000e+00 : f32
    %neg3A_47 = vector.broadcast %neg3A_46 : f32 to vector<32768xf32>
    %neg3A_48 = arith.subf %neg3A_47, %log3A_45 : vector<32768xf32>
    %add3A_49 = arith.constant 9.99999971E-10 : f32
    %add3A_50 = vector.broadcast %add3A_49 : f32 to vector<32768xf32>
    %add3A_51 = arith.addf %neg3A_48, %add3A_50 : vector<32768xf32>
    %log3A_52 = math.log %add3A_51 : vector<32768xf32>
    %neg3A_53 = arith.constant 0.000000e+00 : f32
    %neg3A_54 = vector.broadcast %neg3A_53 : f32 to vector<32768xf32>
    %neg3A_55 = arith.subf %neg3A_54, %log3A_52 : vector<32768xf32>
    %add3A_56 = arith.addf %log3A_19, %neg3A_55 : vector<32768xf32>
    %add3A_57 = arith.addf %log3A, %neg3A_37 : vector<32768xf32>
    %gt3A = arith.cmpf ogt, %add3A_56, %add3A_57 : vector<32768xf32>
    %jit3A = arith.constant 1.000000e+00 : f32
    %jit3A_58 = arith.constant 0.000000e+00 : f32
    %broadcast_in_dim3A_59 = vector.broadcast %jit3A : f32 to vector<32768xf32>
    %broadcast_in_dim3A_60 = vector.broadcast %jit3A_58 : f32 to vector<32768xf32>
    %select_n3A = arith.select %gt3A, %broadcast_in_dim3A_59, %broadcast_in_dim3A_60 : vector<32768xi1>, vector<32768xf32>
    %swap3A = arith.constant 0 : index
    %swap3A_61 = arith.constant 0 : index
    %swap3A_62 = vector.load %arg7[%swap3A, %swap3A_61] : memref<4x32768xf32, #tpu.memory_space<vmem>>, vector<1x32768xf32>
    %swap3A_63 = vector.shape_cast %swap3A_62 : vector<1x32768xf32> to vector<32768xf32>
    %swap3A_64 = vector.shape_cast %select_n3A : vector<32768xf32> to vector<1x32768xf32>
    tpu.vector_store %arg7[%swap3A, %swap3A_61], %swap3A_64 {strides = array<i32>} : memref<4x32768xf32, #tpu.memory_space<vmem>>, vector<1x32768xf32>,
    %sub3A_65 = arith.subf %get3A_4, %select_n3A : vector<32768xf32>
    %max3A = arith.constant 0.000000e+00 : f32
    %max3A_66 = vector.broadcast %max3A : f32 to vector<32768xf32>
    %max3A_67 = arith.maximumf %max3A_66, %sub3A_65 : vector<32768xf32>
    %swap3A_68 = arith.constant 1 : index
    %swap3A_69 = arith.constant 0 : index
    %swap3A_70 = vector.load %arg7[%swap3A_68, %swap3A_69] : memref<4x32768xf32, #tpu.memory_space<vmem>>, vector<1x32768xf32>
    %swap3A_71 = vector.shape_cast %swap3A_70 : vector<1x32768xf32> to vector<32768xf32>
    %swap3A_72 = vector.shape_cast %max3A_67 : vector<32768xf32> to vector<1x32768xf32>
    tpu.vector_store %arg7[%swap3A_68, %swap3A_69], %swap3A_72 {strides = array<i32>} : memref<4x32768xf32, #tpu.memory_space<vmem>>, vector<1x32768xf32>,
    %get3A_73 = arith.constant 0 : index
    %get3A_74 = vector.load %arg5[%get3A_73] : memref<32768xf32, #tpu.memory_space<vmem>>, vector<32768xf32>
    %add3A_75 = arith.addf %get3A_74, %select_n3A : vector<32768xf32>
    %swap3A_76 = arith.constant 2 : index
    %swap3A_77 = arith.constant 0 : index
    %swap3A_78 = vector.load %arg7[%swap3A_76, %swap3A_77] : memref<4x32768xf32, #tpu.memory_space<vmem>>, vector<1x32768xf32>
    %swap3A_79 = vector.shape_cast %swap3A_78 : vector<1x32768xf32> to vector<32768xf32>
    %swap3A_80 = vector.shape_cast %add3A_75 : vector<32768xf32> to vector<1x32768xf32>
    tpu.vector_store %arg7[%swap3A_76, %swap3A_77], %swap3A_80 {strides = array<i32>} : memref<4x32768xf32, #tpu.memory_space<vmem>>, vector<1x32768xf32>,
    %gt3A_81 = arith.constant 5.000000e-01 : f32
    %gt3A_82 = vector.broadcast %gt3A_81 : f32 to vector<32768xf32>
    %gt3A_83 = arith.cmpf ogt, %select_n3A, %gt3A_82 : vector<32768xf32>
    %get3A_84 = arith.constant 0 : index
    %get3A_85 = vector.load %arg6[%get3A_84] : memref<32768xf32, #tpu.memory_space<vmem>>, vector<32768xf32>
    %jit3A_86 = arith.constant 5.000000e-01 : f32
    %broadcast_in_dim3A_87 = vector.broadcast %jit3A_86 : f32 to vector<32768xf32>
    %select_n3A_88 = arith.select %gt3A_83, %broadcast_in_dim3A_87, %get3A_85 : vector<32768xi1>, vector<32768xf32>
    %swap3A_89 = arith.constant 3 : index
    %swap3A_90 = arith.constant 0 : index
    %swap3A_91 = vector.load %arg7[%swap3A_89, %swap3A_90] : memref<4x32768xf32, #tpu.memory_space<vmem>>, vector<1x32768xf32>
    %swap3A_92 = vector.shape_cast %swap3A_91 : vector<1x32768xf32> to vector<32768xf32>
    %swap3A_93 = vector.shape_cast %select_n3A_88 : vector<32768xf32> to vector<1x32768xf32>
    tpu.vector_store %arg7[%swap3A_89, %swap3A_90], %swap3A_93 {strides = array<i32>} : memref<4x32768xf32, #tpu.memory_space<vmem>>, vector<1x32768xf32>,
    return
  }
  func.func @transform_0(%arg0: i32) -> i32 {
    %c0_i32 = arith.constant 0 : i32
    %c0_i32_0 = arith.constant 0 : i32
    return %c0_i32 : i32
  }
  func.func @transform_1(%arg0: i32) -> i32 {
    %c0_i32 = arith.constant 0 : i32
    return %arg0 : i32
  }
  func.func @transform_2(%arg0: i32) -> i32 {
    %c0_i32 = arith.constant 0 : i32
    return %arg0 : i32
  }
  func.func @transform_3(%arg0: i32) -> (i32, i32) {
    %c0_i32 = arith.constant 0 : i32
    %c0_i32_0 = arith.constant 0 : i32
    return %c0_i32, %arg0 : i32, i32
  }
  func.func @transform_4(%arg0: i32) -> i32 {
    %c0_i32 = arith.constant 0 : i32
    return %arg0 : i32
  }
  func.func @transform_5(%arg0: i32) -> i32 {
    %c0_i32 = arith.constant 0 : i32
    return %arg0 : i32
  }
  func.func @transform_6(%arg0: i32) -> (i32, i32) {
    %c0_i32 = arith.constant 0 : i32
    %c0_i32_0 = arith.constant 0 : i32
    return %c0_i32, %arg0 : i32, i32
  }
}

</mosaic_0001>

<sc_bundles>
// kernel: kernel.4.cloned.1.call-start
scs
__scs_entry_jumppad:
0x0: {  	(pc) =	sbr.rel $0x88, $3  }
0x1: {  	(tag) =	ssettag $0x0;
	lr =	simm.s32 $0x1  }
0x2: {  	[smem:$0x3F9A] =	sst lr;
	_ =	strace $0xD0000000  }
0x3: {  	_ = 	snop  }
0x4: {  	_ = 	snop  }
0x5: {  	_ = 	snop  }
0x6: {  	_ = 	snop  }
0x7: {  	_ = 	snop  }
__scs_overlays_trampoline_lowered:
0x8: {  	[smem:$0x3FA9] =	sst s0  }
0x9: {  	[smem:$0x3FAA] =	sst s1  }
0xa: {  	[smem:$0x3FAB] =	sst s2  }
0xb: {  	[smem:$0x3FAC] =	sst s3  }
0xc: {  	[smem:$0x3FAD] =	sst s4  }
0xd: {  	[smem:$0x3FAE] =	sst s5  }
0xe: {  	[smem:$0x3FAF] =	sst s6  }
0xf: {  	[smem:$0x3FB0] =	sst s7  }
0x10: {  	[smem:$0x3FB1] =	sst s8  }
0x11: {  	[smem:$0x3FB2] =	sst s9;
	s0 =	simm.s32 @!p0 $0x0  }
0x12: {  	s1 =	sld [smem:$0x3F98];
	s0 =	simm.s32 @p0 $0x1  }
0x13: {  	[smem:$0x3FB3] =	sst s0;
	s0 =	simm.s32 @!p1 $0x0  }
0x14: {  	s2 =	sld [smem:$0x3F97];
	s0 =	simm.s32 @p1 $0x1  }
0x15: {  	[smem:$0x3FB4] =	sst s0;
	s0 =	simm.s32 @!p2 $0x0  }
0x16: {  	s3 =	sld [smem:$0x3FDB];
	s0 =	simm.s32 @p2 $0x1  }
0x17: {  	s4 =	simm.s32 $0x1BF5;
	[smem:$0x3FB6] =	sst s0  }
0x18: {  	s0 =	sld [smem:$0x3F99];
	_ =	swait.ge [sflag:s4], $0x0  }
0x19: {  	s7 =	sld [smem:$0x3F9A]  }
0x1a: {  	s8 =	sadd.s32 $0xFFFFE003, lr  }
0x1b: {  	s9 =	sadd.s32 $0xFFFFFEF7, lr;
	s5 =	simm.s32 $0xFFFFFFFF;
	p2 =	slt.u32 s8, $0xFFFFF086  }
0x1c: {  	p1 =	slt.u32 s9, $0xF7A;
	s5 =	simm.s32 @!p2 $0x0  }
0x1d: {  	s5 =	simm.s32 @p1 $0x1;
	p0 =	seq.s32 s7, s2  }
0x1e: {  	s7 =	smul.u32 @!p0 $0xF7A, s2;
	p2 =	seq.s32 @!p0 s5, $0x0  }
0x1f: {  	s9 =	smul.u32 $0xF7A, s1;
	s8 =	simm.s32 @!p0 $0x1BF5;
	p2 =	por !p2, p0  }
0x20: {  	[sflag:s8] =	ssyncset.s32 @!p0 $0xFFFFF086;
	s6 =	sadd.s32 @!p0 s3, s7;
	s7 =	simm.s32 @!p0 $0x108  }
0x21: {  	s3 =	sadd.s32 s3, s9;
	s6 =	sadd.s32 @!p0 $0x88, s6;
	s7 =	simm.s32 @p2 $0x1082  }
0x22: {  	[simem:s7], [sflag:s8] =	dma.local @!p0 [hbm:s6], $0xF7A  }
0x23: {  	s9 =	sor.u32 $0xD0000000, s2;
	s6 =	simm.s32 $0x108;
	_ =	swait.ge @!p0 [sflag:s8], $0x0  }
0x24: {  	s3 =	sadd.s32 $0x88, s3;
	s6 =	simm.s32 @!p1 $0x1082;
	[sflag:s4] =	ssyncset.s32 $0xFFFFF086  }
0x25: {  	[simem:s6], [sflag:s4] =	dma.local [hbm:s3], $0xF7A  }
0x26: {  	[smem:$0x3F9A] =	sst s1;
	(tag) =	ssettag s2;
	_ =	strace s9  }
0x27: {  	s1 =	sld [smem:$0x3FAA]  }
0x28: {  	s2 =	sld [smem:$0x3FAB]  }
0x29: {  	s4 =	sld [smem:$0x3FAD]  }
0x2a: {  	p0 =	seq.s32 s5, $0x0;
	s5 =	sld [smem:$0x3FAE]  }
0x2b: {  	s6 =	sld [smem:$0x3FAF]  }
0x2c: {  	s7 =	sld [smem:$0x3FB0]  }
0x2d: {  	s3 =	simm.s32 $0x108;
	s8 =	sld [smem:$0x3FB1]  }
0x2e: {  	s3 =	simm.s32 @!p0 $0x1082;
	s9 =	sld [smem:$0x3FB2]  }
0x2f: {  	lr =	sadd.s32 s0, s3;
	s0 =	sld [smem:$0x3FA9]  }
0x30: {  	s3 =	sld [smem:$0x3FAC]  }
0x31: {  	[smem:$0x3FB5] =	sst s10  }
0x32: {  	s10 =	sld [smem:$0x3FB3];
	_ =	sdelay $0x3  }
0x33: {  	p0 =	seq.s32 s10, $0x1;
	s10 =	sld [smem:$0x3FB5];
	_ =	sdelay $0x3  }
0x34: {  	[smem:$0x3FB5] =	sst s10  }
0x35: {  	s10 =	sld [smem:$0x3FB4];
	_ =	sdelay $0x3  }
0x36: {  	p1 =	seq.s32 s10, $0x1;
	s10 =	sld [smem:$0x3FB5];
	_ =	sdelay $0x3  }
0x37: {  	[smem:$0x3FB5] =	sst s10  }
0x38: {  	s10 =	sld [smem:$0x3FB6]  }
0x39: {  	_ = 	snop;
	(pc) =	sbr.ind lr, $3  }
0x3a: {  	_ = 	snop  }
0x3b: {  	_ = 	snop  }
0x3c: {  	p2 =	seq.s32 s10, $0x1;
	s10 =	sld [smem:$0x3FB5]  }
0x3d: {  	_ =	shalt  }
0x3e: {  	_ =	shalt  }
0x3f: {  	_ =	shalt  }
0x40: {  	_ =	shalt  }
0x41: {  	_ =	shalt  }
0x42: {  	_ =	shalt  }
0x43: {  	_ =	shalt  }
0x44: {  	_ =	shalt  }
0x45: {  	_ =	shalt  }
0x46: {  	_ =	shalt  }
0x47: {  	_ =	shalt  }
0x48: {  	_ =	shalt  }
0x49: {  	_ =	shalt  }
0x4a: {  	_ =	shalt  }
0x4b: {  	_ =	shalt  }
0x4c: {  	_ =	shalt  }
0x4d: {  	_ =	shalt  }
0x4e: {  	_ =	shalt  }
0x4f: {  	_ =	shalt  }
0x50: {  	_ =	shalt  }
0x51: {  	_ =	shalt  }
0x52: {  	_ =	shalt  }
0x53: {  	_ =	shalt  }
0x54: {  	_ =	shalt  }
0x55: {  	_ =	shalt  }
0x56: {  	_ =	shalt  }
0x57: {  	_ =	shalt  }
0x58: {  	_ =	shalt  }
0x59: {  	_ =	shalt  }
0x5a: {  	_ =	shalt  }
0x5b: {  	_ =	shalt  }
0x5c: {  	_ =	shalt  }
0x5d: {  	_ =	shalt  }
0x5e: {  	_ =	shalt  }
0x5f: {  	_ =	shalt  }
0x60: {  	_ =	shalt  }
0x61: {  	_ =	shalt  }
0x62: {  	_ =	shalt  }
0x63: {  	_ =	shalt  }
0x64: {  	_ =	shalt  }
0x65: {  	_ =	shalt  }
0x66: {  	_ =	shalt  }
0x67: {  	_ =	shalt  }
0x68: {  	_ =	shalt  }
0x69: {  	_ =	shalt  }
0x6a: {  	_ =	shalt  }
0x6b: {  	_ =	shalt  }
0x6c: {  	_ =	shalt  }
0x6d: {  	_ =	shalt  }
0x6e: {  	_ =	shalt  }
0x6f: {  	_ =	shalt  }
0x70: {  	_ =	shalt  }
0x71: {  	_ =	shalt  }
0x72: {  	_ =	shalt  }
0x73: {  	_ =	shalt  }
0x74: {  	_ =	shalt  }
0x75: {  	_ =	shalt  }
0x76: {  	_ =	shalt  }
0x77: {  	_ =	shalt  }
0x78: {  	_ =	shalt  }
0x79: {  	_ =	shalt  }
0x7a: {  	_ =	shalt  }
0x7b: {  	_ =	shalt  }
0x7c: {  	_ =	shalt  }
0x7d: {  	_ =	shalt  }
0x7e: {  	_ =	shalt  }
0x7f: {  	_ =	shalt  }
0x80: {  	_ =	shalt  }
0x81: {  	_ =	shalt  }
0x82: {  	_ =	shalt  }
0x83: {  	_ =	shalt  }
0x84: {  	_ =	shalt  }
0x85: {  	_ =	shalt  }
0x86: {  	_ =	shalt  }
0x87: {  	_ =	shalt  }
.Lfunc_end0:
.L_simem_size_0:
called_computation_lowered:
.L_overlay_start_0:
0x88: {  	s2 =	sld [smem:$0x3FD9]  }
0x89: {  	s3 =	sld [smem:$0x3FFE];
	_ =	sdelay $0x1  }
0x8a: {  	s1 =	srdreg.scid  }
0x8b: {  	s0 =	sand.u32 $0x1, s1  }
0x8c: {  	s17 =	sshll.u32 s0, $0xA;
	s2 =	sadd.s32 s3, s2  }
0x8d: {  	s2 =	sadd.s32 s2, s17  }
0x8e: {  	[smem:$0x3FC1] =	sst s2  }
0x8f: {  	_ = 	snop  }
0x90: {  	s2 =	sld [smem:$0x3FD0];
	(tm) =	ssettm $0x1  }
0x91: {  	s18 =	sld [smem:$0x3FFB];
	_ =	sdelay $0x3  }
0x92: {  	_ =	strace s18  }
0x93: {  	s3 =	sld [smem:$0x3FFC];
	_ =	sdelay $0x3  }
0x94: {  	_ =	strace s3  }
0x95: {  	s3 =	sld [smem:$0x3FFD];
	_ =	sdelay $0x3  }
0x96: {  	_ =	strace s3  }
0x97: {  	_ =	strace $0x8FFFFFFF  }
0x98: {  	s19 =	sld [smem:$0x3FDB];
	_ =	sdelay $0x1  }
0x99: {  	s4 =	simm.s32 $_scs_section_size  }
0x9a: {  	s5 =	simm.s32 $_size__tile_overlayer_lowered;
	s6 =	simm.s32 $_tile_overlayer_lowered  }
0x9b: {  	s22 =	simm.s32 $0x1BFF;
	s21 =	sshll.u32 s6, $0x1;
	s3 =	sadd.s32 s4, s19  }
0x9c: {  	s7 =	simm.s32 $0x0;
	s20 =	sshll.u32 s5, $0x1;
	s5 =	sadd.s32 s21, s3  }
0x9d: {  	[timem:s7], [sflag:s22] =	dma.local [hbm:s5], s20  }
0x9e: {  	_ =	swait.ge [sflag:s22], s20  }
0x9f: {  	s4 =	ssub.s32 $0x0, s20;
	[sflag:s22] =	ssyncset.done $0x0  }
0xa0: {  	[sflag:s22] =	ssyncadd.s32 s4;
	_ =	sdelay $0x1  }
0xa1: {  	s23 =	simm.s32 $0x1B8B  }
0xa2: {  	_ =	swait.ge [sflag:s23], $0x1  }
0xa3: {  	[sflag:s23] =	ssyncset.done $0x0  }
0xa4: {  	s25 =	simm.s32 $0x1B8E;
	s24 =	sld [smem:$0x3FFE];
	[sflag:s23] =	ssyncadd.s32 $0xFFFFFFFF  }
0xa5: {  	s26 =	simm.s32 $execute0_lowered;
	[smem:$0x3FD2] =	sst s25  }
0xa6: {  	s5 =	sshll.u32 s26, $0x1;
	_ =	strace $0x80000046;
	[dreg:$0x1] =	wrdreg $0xFFFFFFFF  }
0xa7: {  	s28 =	simm.s32 $_size_execute0_lowered;
	s3 =	sadd.s32 s3, s5;
	[dreg:$0x0] =	wrdreg $0x0  }
0xa8: {  	s5 =	sshll.u32 s28, $0x1;
	[dreg:$0x2] =	wrdreg s3  }
0xa9: {  	[dreg:$0x3] =	wrdreg s5  }
0xaa: {  	[dreg:$0x4] =	wrdreg $0xC0  }
0xab: {  	_ =	task [dreg:s7], $0x5FFFF  }
0xac: {  	[dreg:$0x1] =	wrdreg $0xFFFFFFFF  }
0xad: {  	[dreg:$0x0] =	wrdreg $0x60  }
0xae: {  	[dreg:$0x2] =	wrdreg s2  }
0xaf: {  	[dreg:$0x3] =	wrdreg s24  }
0xb0: {  	[dreg:$0x4] =	wrdreg $0x0  }
0xb1: {  	[dreg:$0x5] =	wrdreg $0x9  }
0xb2: {  	_ =	task.clear_ibuf [dreg:s7], $0x6FFFF;
	_ =	strace $0x90000046  }
0xb3: {  	s29 =	simm.s32 $0x9;
	_ =	strace $0x8000004C  }
0xb4: {  	_ =	swait.ge [sflag:s29], $0x1  }
0xb5: {  	[sflag:s29] =	ssyncadd.s32 $0xFFFFFFFF  }
0xb6: {  	_ =	strace $0x9000004C  }
0xb7: {  	_ =	sfence  }
0xb8: {  	s30 =	sld [smem:$0x0];
	_ =	sdelay $0x2  }
0xb9: {  	s31 =	sshll.u32 s1, $0xD;
	s1 =	sshrl.u32 s1, $0x2  }
0xba: {  	s3 =	sand.u32 $0x4000, s31;
	s1 =	sadd.s32 s1, s30  }
0xbb: {  	s0 =	sor.u32 s3, s0;
	s1 =	sshll.u32 s1, $0x11  }
0xbc: {  	s0 =	sor.u32 s1, s0  }
0xbd: {  	s0 =	sadd.s32 $0x8F2B, s0  }
0xbe: {  	[sflag:s0] =	ssyncadd.remote.s32 $0x1  }
0xbf: {  	_ =	sfence.sel $0xFFFF  }
0xc0: {  	[dreg:$0x0] =	wrdreg $0xFFFFFFFF;
	(pc) =	sbr.abs _section_cstart, $3  }
0xc1: {  	[dreg:$0x1] =	wrdreg $0xFFFFFFFF  }
0xc2: {  	_ =	task.clear_ibuf [dreg:s7], $0x2FFFF;
	_ =	strace $0x9FFFFFFF  }
0xc3: {  	(tm) =	ssettm $0x7FFFFFFF  }
tec
execute0_lowered:
.L_overlay_start_1:
0x0: {  	(tag) =	ssettag $0x1  }
0x1: {  	s0 =	rddreg [dreg:$0x0]  }
0x2: {  	s1 =	rddreg [dreg:$0x1]  }
0x3: {  	s2 =	rddreg [dreg:$0x2]  }
0x4: {  	s12 =	stileid.u32;
	s4 =	srdreg.scid  }
0x5: {  	s3 =	simm.s32 $0x0;
	s17 =	simm.s32 $0x1B080;
	s18 =	simm.s32 $0x1A880  }
0x6: {  	s19 =	simm.s32 $0x1B880;
	s21 =	simm.s32 $0x5;
	s8 =	smul.u32 $0x1880, s12  }
0x7: {  	s28 =	simm.s32 $0x1880;
	s29 =	simm.s32 $0x1C080;
	s6 =	smul.u32 $0x7C00, s12  }
0x8: {  	s30 =	simm.s32 $0x1C480;
	s31 =	simm.s32 $0x0;
	s9 =	smul.u32 $0xF800, s12  }
0x9: {  	s4 =	sand.u32 $0x1, s4;
	[smem:$0x7FF] =	sst s3;
	s13 =	smul.u32 $0x1F00, s12  }
0xa: {  	s15 =	sadd.s32 $0xE00, s1;
	s5 =	smul.u32 $0x7C000, s4;
	s4 =	ssub.s32 $0x2, s4  }
0xb: {  	_ =	strace $0x80000047;
	s7 =	sshrl.u32 s8, $0x3;
	s22 =	sshrl.u32 s4, $0x1  }
0xc: {  	s11 =	sshrl.u32 s9, $0x3;
	s20 =	sadd.s32 s8, s2;
	s12 =	sadd.s32 s13, s0  }
0xd: {  	s13 =	sadd.s32 s13, s15;
	s10 =	sadd.s32 s7, s1;
	s5 =	sadd.s32 s6, s5  }
0xe: {  	s23 =	ssub.s32 s4, s22;
	s24 =	sadd.s32 $0x100, s11;
	s25 =	sadd.s32 s15, s11  }
0xf: {  	s26 =	sadd.s32 s0, s11;
	s11 =	sadd.s32 $0x1E00, s11;
	s20 =	sshrl.u32 s20, $0x3  }
0x10: {  	s22 =	simm.s32 $0x1;
	s16 =	sshrl.u32 s5, $0x3;
	[dreg:$0x4] =	wrdreg s25  }
0x11: {  	[dreg:$0x5] =	wrdreg s26;
	s6 =	sadd.s32 s15, s24;
	s7 =	sadd.s32 s0, s24  }
0x12: {  	s8 =	sadd.s32 $0x1FE00, s10;
	s9 =	smax.u32 s23, $0x1;
	s10 =	sadd.s32 s15, s11  }
0x13: {  	s11 =	sadd.s32 s0, s11;
	s23 =	simm.s32 $0x800;
	s24 =	simm.s32 $0x2  }
0x14: {  	s25 =	simm.s32 $0x3;
	s26 =	simm.s32 $0x4;
	s1 =	sadd.s32 s16, s1  }
0x15: {  	s15 =	sadd.s32 s16, s15;
	s16 =	simm.s32 $0x1A080;
	s14 =	sadd.s32 $0x23000, s1  }
.LBB2_1:
0x16: {  	_ =	strace $0x80000048  }
0x17: {  	s0 =	rddreg [dreg:$0x4]  }
0x18: {  	[tilespmem:s16], [sflag:$0x1] =	stream.linear.gather [hbm4b:s0+s3], $0x800, $0x200038;
	[tilespmem:$0x1C880] =	vst v63  }
0x19: {  	s4 =	stileid.u32;
	s1 =	rddreg [dreg:$0x5]  }
0x1a: {  	[tilespmem:s17], [sflag:$0x1] =	stream.linear.gather [hbm4b:s1+s3], $0x800, $0x200038;
	[tilespmem:$0x1C880] =	vst v63  }
0x1b: {  	s0 =	sshll.u32 s4, $0x6  }
0x1c: {  	[tilespmem:s18], [sflag:$0x2] =	stream.linear.gather [hbm4b:s6+s3], $0x800, $0x200038;
	[tilespmem:$0x1C880] =	vst v63  }
0x1d: {  	s0 =	sor.u32 $0x1C05, s0  }
0x1e: {  	[tilespmem:s19], [sflag:$0x2] =	stream.linear.gather [hbm4b:s7+s3], $0x800, $0x200038;
	[tilespmem:$0x1C880] =	vst v63  }
0x1f: {  	[spmem:s20], [sflag:s0] =	dma.local [hbm:s8], $0x310  }
0x20: {  	_ =	swait.ge [sflag:s21], $0x310  }
0x21: {  	[sflag:s21] =	ssyncset.done $0x0  }
0x22: {  	[sflag:s21] =	ssyncadd.s32 $0xFFFFFCF0  }
0x23: {  	[bflag:$0x0] =	sbarrier.arrive $0xFFFF  }
0x24: {  	_ =	strace $0x90000048  }
0x25: {  	_ =	swait.ge [sflag:s22], $0x800  }
0x26: {  	[sflag:s22] =	ssyncset.done $0x0  }
0x27: {  	[sflag:s22] =	ssyncadd.s32 $0xFFFFF800  }
0x28: {  	_ =	swait.ge [sflag:s22], $0x800  }
0x29: {  	[sflag:s22] =	ssyncset.done $0x0  }
0x2a: {  	[sflag:s22] =	ssyncadd.s32 $0xFFFFF800  }
0x2b: {  	[spmem:s2] =	stream.indirect.scatter.add.f32 [tilespmem:s17], [sflag:$0x3], $0x1, s16, s23, $0xb8;
	[tilespmem:$0x1C880] =	vst v63  }
0x2c: {  	_ =	swait.ge [sflag:s24], $0x800  }
0x2d: {  	[sflag:s24] =	ssyncset.done $0x0  }
0x2e: {  	[sflag:s24] =	ssyncadd.s32 $0xFFFFF800  }
0x2f: {  	_ =	swait.ge [sflag:s24], $0x800  }
0x30: {  	[sflag:s24] =	ssyncset.done $0x0  }
0x31: {  	[sflag:s24] =	ssyncadd.s32 $0xFFFFF800  }
0x32: {  	[spmem:s2] =	stream.indirect.scatter.add.f32 [tilespmem:s19], [sflag:$0x4], $0x1, s18, s23, $0xb8;
	[tilespmem:$0x1C880] =	vst v63  }
0x33: {  	_ =	swait.ge [sflag:s25], $0x800  }
0x34: {  	s0 =	sadd.s32 $0xFFFFE400, s13;
	[sflag:s25] =	ssyncset.done $0x0  }
0x35: {  	s4 =	sadd.s32 $0xFFFFE400, s12;
	s1 =	sadd.s32 $0x1E00, s0;
	[sflag:s25] =	ssyncadd.s32 $0xFFFFF800  }
0x36: {  	[tilespmem:s16], [sflag:$0x1] =	stream.linear.gather [hbm4b:s1+s3], $0x800, $0x38;
	[tilespmem:$0x1C880] =	vst v63  }
0x37: {  	s5 =	sadd.s32 $0x1E00, s4  }
0x38: {  	[tilespmem:s17], [sflag:$0x1] =	stream.linear.gather [hbm4b:s5+s3], $0x800, $0x38;
	[tilespmem:$0x1C880] =	vst v63  }
0x39: {  	_ =	swait.ge [sflag:s26], $0x800  }
0x3a: {  	[sflag:s26] =	ssyncset.done $0x0  }
0x3b: {  	s0 =	sadd.s32 $0x1F00, s0;
	[sflag:s26] =	ssyncadd.s32 $0xFFFFF800  }
0x3c: {  	[tilespmem:s18], [sflag:$0x2] =	stream.linear.gather [hbm4b:s0+s3], $0x800, $0x38;
	[tilespmem:$0x1C880] =	vst v63  }
0x3d: {  	s1 =	sadd.s32 $0x1F00, s4;
	s0 =	simm.s32 $0xFFFFE600  }
.LBB2_2:
0x3e: {  	[tilespmem:s19], [sflag:$0x2] =	stream.linear.gather [hbm4b:s1+s3], $0x800, $0x38;
	[tilespmem:$0x1C880] =	vst v63  }
0x3f: {  	s1 =	smov.u32 s0  }
0x40: {  	p0 =	sne.s32 s0, $0xFFFFFE00;
	s0 =	sadd.s32 $0x200, s0;
	_ =	swait.ge [sflag:s22], $0x800  }
0x41: {  	[sflag:s22] =	ssyncset.done $0x0  }
0x42: {  	[sflag:s22] =	ssyncadd.s32 $0xFFFFF800  }
0x43: {  	_ =	swait.ge [sflag:s22], $0x800  }
0x44: {  	[sflag:s22] =	ssyncset.done $0x0  }
0x45: {  	[sflag:s22] =	ssyncadd.s32 $0xFFFFF800  }
0x46: {  	[spmem:s2] =	stream.indirect.scatter.add.f32 [tilespmem:s17], [sflag:$0x3], $0x1, s16, s23, $0xb8;
	[tilespmem:$0x1C880] =	vst v63  }
0x47: {  	_ =	swait.ge [sflag:s24], $0x800  }
0x48: {  	[sflag:s24] =	ssyncset.done $0x0  }
0x49: {  	[sflag:s24] =	ssyncadd.s32 $0xFFFFF800  }
0x4a: {  	_ =	swait.ge [sflag:s24], $0x800  }
0x4b: {  	[sflag:s24] =	ssyncset.done $0x0  }
0x4c: {  	[sflag:s24] =	ssyncadd.s32 $0xFFFFF800  }
0x4d: {  	[spmem:s2] =	stream.indirect.scatter.add.f32 [tilespmem:s19], [sflag:$0x4], $0x1, s18, s23, $0xb8;
	[tilespmem:$0x1C880] =	vst v63  }
0x4e: {  	_ =	swait.ge [sflag:s25], $0x800  }
0x4f: {  	s4 =	sadd.s32 s1, s13;
	[sflag:s25] =	ssyncset.done $0x0  }
0x50: {  	s1 =	sadd.s32 s1, s12;
	s5 =	sadd.s32 $0x1E00, s4;
	[sflag:s25] =	ssyncadd.s32 $0xFFFFF800  }
0x51: {  	[tilespmem:s16], [sflag:$0x1] =	stream.linear.gather [hbm4b:s5+s3], $0x800, $0x38;
	[tilespmem:$0x1C880] =	vst v63  }
0x52: {  	s5 =	sadd.s32 $0x1E00, s1  }
0x53: {  	[tilespmem:s17], [sflag:$0x1] =	stream.linear.gather [hbm4b:s5+s3], $0x800, $0x38;
	[tilespmem:$0x1C880] =	vst v63  }
.Ltmp0:
0x54: {  	_ =	swait.ge [sflag:s26], $0x800;
	(pc) =	sbr.rel @p0 .LBB2_2-.Ltmp0, $4  }
0x55: {  	[sflag:s26] =	ssyncset.done $0x0  }
0x56: {  	s4 =	sadd.s32 $0x1F00, s4;
	[sflag:s26] =	ssyncadd.s32 $0xFFFFF800  }
0x57: {  	[tilespmem:s18], [sflag:$0x2] =	stream.linear.gather [hbm4b:s4+s3], $0x800, $0x38;
	[tilespmem:$0x1C880] =	vst v63  }
0x58: {  	s1 =	sadd.s32 $0x1F00, s1  }
0x59: {  	[tilespmem:s19], [sflag:$0x2] =	stream.linear.gather [hbm4b:s1+s3], $0x800, $0x38;
	[tilespmem:$0x1C880] =	vst v63  }
0x5a: {  	_ =	swait.ge [sflag:s22], $0x800  }
0x5b: {  	[sflag:s22] =	ssyncset.done $0x0  }
0x5c: {  	[sflag:s22] =	ssyncadd.s32 $0xFFFFF800  }
0x5d: {  	_ =	swait.ge [sflag:s22], $0x800  }
0x5e: {  	[sflag:s22] =	ssyncset.done $0x0  }
0x5f: {  	[sflag:s22] =	ssyncadd.s32 $0xFFFFF800  }
0x60: {  	[spmem:s2] =	stream.indirect.scatter.add.f32 [tilespmem:s17], [sflag:$0x3], $0x1, s16, s23, $0xb8;
	[tilespmem:$0x1C880] =	vst v63  }
0x61: {  	_ =	swait.ge [sflag:s24], $0x800  }
0x62: {  	[sflag:s24] =	ssyncset.done $0x0  }
0x63: {  	[sflag:s24] =	ssyncadd.s32 $0xFFFFF800  }
0x64: {  	_ =	swait.ge [sflag:s24], $0x800  }
0x65: {  	[sflag:s24] =	ssyncset.done $0x0  }
0x66: {  	[sflag:s24] =	ssyncadd.s32 $0xFFFFF800  }
0x67: {  	[spmem:s2] =	stream.indirect.scatter.add.f32 [tilespmem:s19], [sflag:$0x4], $0x1, s18, s23, $0xb8;
	[tilespmem:$0x1C880] =	vst v63  }
0x68: {  	_ =	swait.ge [sflag:s25], $0x800  }
0x69: {  	[sflag:s25] =	ssyncset.done $0x0  }
0x6a: {  	s0 =	simm.s32 $0x0;
	[sflag:s25] =	ssyncadd.s32 $0xFFFFF800  }
0x6b: {  	[tilespmem:s16], [sflag:$0x1] =	stream.linear.gather [hbm4b:s10+s0], $0x800, $0x38;
	[tilespmem:$0x1C880] =	vst v63  }
0x6c: {  	_ = 	snop  }
0x6d: {  	[tilespmem:s17], [sflag:$0x1] =	stream.linear.gather [hbm4b:s11+s0], $0x800, $0x38;
	[tilespmem:$0x1C880] =	vst v63  }
0x6e: {  	_ =	swait.ge [sflag:s26], $0x800  }
0x6f: {  	[sflag:s26] =	ssyncset.done $0x0  }
0x70: {  	[sflag:s26] =	ssyncadd.s32 $0xFFFFF800  }
0x71: {  	_ =	strace $0x80000049  }
0x72: {  	_ =	swait.ge [sflag:s22], $0x800  }
0x73: {  	[sflag:s22] =	ssyncset.done $0x0  }
0x74: {  	[sflag:s22] =	ssyncadd.s32 $0xFFFFF800  }
0x75: {  	_ =	swait.ge [sflag:s22], $0x800  }
0x76: {  	[sflag:s22] =	ssyncset.done $0x0  }
0x77: {  	[sflag:s22] =	ssyncadd.s32 $0xFFFFF800  }
0x78: {  	[spmem:s2] =	stream.indirect.scatter.add.f32 [tilespmem:s17], [sflag:$0x3], $0x1, s16, s23, $0x2000b8;
	[tilespmem:$0x1C880] =	vst v63  }
0x79: {  	_ =	swait.ge [sflag:s25], $0x800  }
0x7a: {  	[sflag:s25] =	ssyncset.done $0x0  }
0x7b: {  	[sflag:s25] =	ssyncadd.s32 $0xFFFFF800  }
0x7c: {  	[bflag:$0x0] =	sbarrier.arrive $0xFFFF  }
0x7d: {  	_ =	strace $0x90000049  }
0x7e: {  	_ =	strace $0x8000004A  }
0x7f: {  	[tilespmem:s28], [sflag:$0x5] =	stream.linear.gather [spmem:s2], $0x18800, $0x200038;
	[tilespmem:$0x1C880] =	vst v63  }
0x80: {  	_ =	swait.ge [sflag:s21], $0x18800  }
0x81: {  	[sflag:s21] =	ssyncset.done $0x0  }
0x82: {  	[sflag:s21] =	ssyncadd.s32 $0xFFFE7800  }
0x83: {  	_ =	strace $0x9000004A  }
0x84: {  	_ =	strace $0x8000004B  }
.LBB2_4:
0x85: {  	s1 =	sadd.s32 s0, s15  }
0x86: {  	[tilespmem:s29], [sflag:$0x5] =	stream.linear.gather [hbm4b:s1+s3], $0x400, $0x200038;
	[tilespmem:$0x1C880] =	vst v63  }
0x87: {  	_ =	swait.ge [sflag:s21], $0x400  }
0x88: {  	[sflag:s21] =	ssyncset.done $0x0  }
0x89: {  	[sflag:s21] =	ssyncadd.s32 $0xFFFFFC00  }
0x8a: {  	v0 =	vld [tilespmem:$0x1C080];
	_ =	sdelay $0x5  }
0x8b: {  	v1 =	vld [tilespmem:$0x1C090];
	_ =	sdelay $0x1  }
0x8c: {  	v0 =	vld.idx.msk [tilespmem:v0+s28+$0x0], $0xffff;
	_ =	sdelay $0x3  }
0x8d: {  	v2 =	vld [tilespmem:$0x1C0A0]  }
0x8e: {  	[tilespmem:$0x1C480] =	vst v0  }
0x8f: {  	v0 =	vld.idx.msk [tilespmem:v1+s28+$0x0], $0xffff;
	_ =	sdelay $0x3  }
0x90: {  	v63 =	vld [tilespmem:$0x1C0B0]  }
0x91: {  	[tilespmem:$0x1C490] =	vst v0  }
0x92: {  	v0 =	vld.idx.msk [tilespmem:v2+s28+$0x0], $0xffff;
	_ =	sdelay $0x3  }
0x93: {  	v4 =	vld [tilespmem:$0x1C0C0]  }
0x94: {  	[tilespmem:$0x1C4A0] =	vst v0  }
0x95: {  	v0 =	vld.idx.msk [tilespmem:v63+s28+$0x0], $0xffff;
	_ =	sdelay $0x3  }
0x96: {  	v5 =	vld [tilespmem:$0x1C0D0]  }
0x97: {  	[tilespmem:$0x1C4B0] =	vst v0  }
0x98: {  	v0 =	vld.idx.msk [tilespmem:v4+s28+$0x0], $0xffff;
	_ =	sdelay $0x3  }
0x99: {  	v6 =	vld [tilespmem:$0x1C0E0]  }
0x9a: {  	[tilespmem:$0x1C4C0] =	vst v0  }
0x9b: {  	v0 =	vld.idx.msk [tilespmem:v5+s28+$0x0], $0xffff;
	_ =	sdelay $0x3  }
0x9c: {  	v7 =	vld [tilespmem:$0x1C0F0]  }
0x9d: {  	[tilespmem:$0x1C4D0] =	vst v0  }
0x9e: {  	v0 =	vld.idx.msk [tilespmem:v6+s28+$0x0], $0xffff;
	_ =	sdelay $0x3  }
0x9f: {  	v8 =	vld [tilespmem:$0x1C100]  }
0xa0: {  	[tilespmem:$0x1C4E0] =	vst v0  }
0xa1: {  	v0 =	vld.idx.msk [tilespmem:v7+s28+$0x0], $0xffff;
	_ =	sdelay $0x3  }
0xa2: {  	v9 =	vld [tilespmem:$0x1C110]  }
0xa3: {  	[tilespmem:$0x1C4F0] =	vst v0  }
0xa4: {  	v0 =	vld.idx.msk [tilespmem:v8+s28+$0x0], $0xffff;
	_ =	sdelay $0x3  }
0xa5: {  	v10 =	vld [tilespmem:$0x1C120]  }
0xa6: {  	[tilespmem:$0x1C500] =	vst v0  }
0xa7: {  	v0 =	vld.idx.msk [tilespmem:v9+s28+$0x0], $0xffff;
	_ =	sdelay $0x3  }
0xa8: {  	v11 =	vld [tilespmem:$0x1C130]  }
0xa9: {  	[tilespmem:$0x1C510] =	vst v0  }
0xaa: {  	v0 =	vld.idx.msk [tilespmem:v10+s28+$0x0], $0xffff;
	_ =	sdelay $0x3  }
0xab: {  	v12 =	vld [tilespmem:$0x1C140]  }
0xac: {  	[tilespmem:$0x1C520] =	vst v0  }
0xad: {  	v0 =	vld.idx.msk [tilespmem:v11+s28+$0x0], $0xffff;
	_ =	sdelay $0x3  }
0xae: {  	v13 =	vld [tilespmem:$0x1C150]  }
0xaf: {  	[tilespmem:$0x1C530] =	vst v0  }
0xb0: {  	v0 =	vld.idx.msk [tilespmem:v12+s28+$0x0], $0xffff;
	_ =	sdelay $0x3  }
0xb1: {  	v14 =	vld [tilespmem:$0x1C160]  }
0xb2: {  	[tilespmem:$0x1C540] =	vst v0  }
0xb3: {  	v0 =	vld.idx.msk [tilespmem:v13+s28+$0x0], $0xffff;
	_ =	sdelay $0x3  }
0xb4: {  	v15 =	vld [tilespmem:$0x1C170]  }
0xb5: {  	[tilespmem:$0x1C550] =	vst v0  }
0xb6: {  	v0 =	vld.idx.msk [tilespmem:v14+s28+$0x0], $0xffff;
	_ =	sdelay $0x3  }
0xb7: {  	v16 =	vld [tilespmem:$0x1C180]  }
0xb8: {  	[tilespmem:$0x1C560] =	vst v0  }
0xb9: {  	v0 =	vld.idx.msk [tilespmem:v15+s28+$0x0], $0xffff;
	_ =	sdelay $0x3  }
0xba: {  	v17 =	vld [tilespmem:$0x1C190]  }
0xbb: {  	[tilespmem:$0x1C570] =	vst v0  }
0xbc: {  	v0 =	vld.idx.msk [tilespmem:v16+s28+$0x0], $0xffff;
	_ =	sdelay $0x3  }
0xbd: {  	v18 =	vld [tilespmem:$0x1C1A0]  }
0xbe: {  	[tilespmem:$0x1C580] =	vst v0  }
0xbf: {  	v0 =	vld.idx.msk [tilespmem:v17+s28+$0x0], $0xffff;
	_ =	sdelay $0x3  }
0xc0: {  	v19 =	vld [tilespmem:$0x1C1B0]  }
0xc1: {  	[tilespmem:$0x1C590] =	vst v0  }
0xc2: {  	v0 =	vld.idx.msk [tilespmem:v18+s28+$0x0], $0xffff;
	_ =	sdelay $0x3  }
0xc3: {  	v20 =	vld [tilespmem:$0x1C1C0]  }
0xc4: {  	[tilespmem:$0x1C5A0] =	vst v0  }
0xc5: {  	v0 =	vld.idx.msk [tilespmem:v19+s28+$0x0], $0xffff;
	_ =	sdelay $0x3  }
0xc6: {  	v21 =	vld [tilespmem:$0x1C1D0]  }
0xc7: {  	[tilespmem:$0x1C5B0] =	vst v0  }
0xc8: {  	v0 =	vld.idx.msk [tilespmem:v20+s28+$0x0], $0xffff;
	_ =	sdelay $0x3  }
0xc9: {  	v22 =	vld [tilespmem:$0x1C1E0]  }
0xca: {  	[tilespmem:$0x1C5C0] =	vst v0  }
0xcb: {  	v0 =	vld.idx.msk [tilespmem:v21+s28+$0x0], $0xffff;
	_ =	sdelay $0x3  }
0xcc: {  	v23 =	vld [tilespmem:$0x1C1F0]  }
0xcd: {  	[tilespmem:$0x1C5D0] =	vst v0  }
0xce: {  	v0 =	vld.idx.msk [tilespmem:v22+s28+$0x0], $0xffff;
	_ =	sdelay $0x3  }
0xcf: {  	v24 =	vld [tilespmem:$0x1C200]  }
0xd0: {  	[tilespmem:$0x1C5E0] =	vst v0  }
0xd1: {  	v0 =	vld.idx.msk [tilespmem:v23+s28+$0x0], $0xffff;
	_ =	sdelay $0x3  }
0xd2: {  	v25 =	vld [tilespmem:$0x1C210]  }
0xd3: {  	[tilespmem:$0x1C5F0] =	vst v0  }
0xd4: {  	v0 =	vld.idx.msk [tilespmem:v24+s28+$0x0], $0xffff;
	_ =	sdelay $0x3  }
0xd5: {  	v26 =	vld [tilespmem:$0x1C220]  }
0xd6: {  	[tilespmem:$0x1C600] =	vst v0  }
0xd7: {  	v0 =	vld.idx.msk [tilespmem:v25+s28+$0x0], $0xffff;
	_ =	sdelay $0x3  }
0xd8: {  	v27 =	vld [tilespmem:$0x1C230]  }
0xd9: {  	[tilespmem:$0x1C610] =	vst v0  }
0xda: {  	v0 =	vld.idx.msk [tilespmem:v26+s28+$0x0], $0xffff;
	_ =	sdelay $0x3  }
0xdb: {  	v28 =	vld [tilespmem:$0x1C240]  }
0xdc: {  	[tilespmem:$0x1C620] =	vst v0  }
0xdd: {  	v0 =	vld.idx.msk [tilespmem:v27+s28+$0x0], $0xffff;
	_ =	sdelay $0x3  }
0xde: {  	v29 =	vld [tilespmem:$0x1C250]  }
0xdf: {  	[tilespmem:$0x1C630] =	vst v0  }
0xe0: {  	v0 =	vld.idx.msk [tilespmem:v28+s28+$0x0], $0xffff;
	_ =	sdelay $0x3  }
0xe1: {  	v30 =	vld [tilespmem:$0x1C260]  }
0xe2: {  	[tilespmem:$0x1C640] =	vst v0  }
0xe3: {  	v0 =	vld.idx.msk [tilespmem:v29+s28+$0x0], $0xffff;
	_ =	sdelay $0x3  }
0xe4: {  	v31 =	vld [tilespmem:$0x1C270]  }
0xe5: {  	[tilespmem:$0x1C650] =	vst v0  }
0xe6: {  	v0 =	vld.idx.msk [tilespmem:v30+s28+$0x0], $0xffff;
	_ =	sdelay $0x3  }
0xe7: {  	v32 =	vld [tilespmem:$0x1C280]  }
0xe8: {  	[tilespmem:$0x1C660] =	vst v0  }
0xe9: {  	v0 =	vld.idx.msk [tilespmem:v31+s28+$0x0], $0xffff;
	_ =	sdelay $0x3  }
0xea: {  	v33 =	vld [tilespmem:$0x1C290]  }
0xeb: {  	[tilespmem:$0x1C670] =	vst v0  }
0xec: {  	v0 =	vld.idx.msk [tilespmem:v32+s28+$0x0], $0xffff;
	_ =	sdelay $0x3  }
0xed: {  	v34 =	vld [tilespmem:$0x1C2A0]  }
0xee: {  	[tilespmem:$0x1C680] =	vst v0  }
0xef: {  	v0 =	vld.idx.msk [tilespmem:v33+s28+$0x0], $0xffff;
	_ =	sdelay $0x3  }
0xf0: {  	v35 =	vld [tilespmem:$0x1C2B0]  }
0xf1: {  	[tilespmem:$0x1C690] =	vst v0  }
0xf2: {  	v0 =	vld.idx.msk [tilespmem:v34+s28+$0x0], $0xffff;
	_ =	sdelay $0x3  }
0xf3: {  	v36 =	vld [tilespmem:$0x1C2C0]  }
0xf4: {  	[tilespmem:$0x1C6A0] =	vst v0  }
0xf5: {  	v0 =	vld.idx.msk [tilespmem:v35+s28+$0x0], $0xffff;
	_ =	sdelay $0x3  }
0xf6: {  	v37 =	vld [tilespmem:$0x1C2D0]  }
0xf7: {  	[tilespmem:$0x1C6B0] =	vst v0  }
0xf8: {  	v0 =	vld.idx.msk [tilespmem:v36+s28+$0x0], $0xffff;
	_ =	sdelay $0x3  }
0xf9: {  	v38 =	vld [tilespmem:$0x1C2E0]  }
0xfa: {  	[tilespmem:$0x1C6C0] =	vst v0  }
0xfb: {  	v0 =	vld.idx.msk [tilespmem:v37+s28+$0x0], $0xffff;
	_ =	sdelay $0x3  }
0xfc: {  	v39 =	vld [tilespmem:$0x1C2F0]  }
0xfd: {  	[tilespmem:$0x1C6D0] =	vst v0  }
0xfe: {  	v0 =	vld.idx.msk [tilespmem:v38+s28+$0x0], $0xffff;
	_ =	sdelay $0x3  }
0xff: {  	v40 =	vld [tilespmem:$0x1C300]  }
0x100: {  	[tilespmem:$0x1C6E0] =	vst v0  }
0x101: {  	v0 =	vld.idx.msk [tilespmem:v39+s28+$0x0], $0xffff;
	_ =	sdelay $0x3  }
0x102: {  	v41 =	vld [tilespmem:$0x1C310]  }
0x103: {  	[tilespmem:$0x1C6F0] =	vst v0  }
0x104: {  	v0 =	vld.idx.msk [tilespmem:v40+s28+$0x0], $0xffff;
	_ =	sdelay $0x3  }
0x105: {  	v42 =	vld [tilespmem:$0x1C320]  }
0x106: {  	[tilespmem:$0x1C700] =	vst v0  }
0x107: {  	v0 =	vld.idx.msk [tilespmem:v41+s28+$0x0], $0xffff;
	_ =	sdelay $0x3  }
0x108: {  	v43 =	vld [tilespmem:$0x1C330]  }
0x109: {  	[tilespmem:$0x1C710] =	vst v0  }
0x10a: {  	v0 =	vld.idx.msk [tilespmem:v42+s28+$0x0], $0xffff;
	_ =	sdelay $0x3  }
0x10b: {  	v44 =	vld [tilespmem:$0x1C340]  }
0x10c: {  	[tilespmem:$0x1C720] =	vst v0  }
0x10d: {  	v0 =	vld.idx.msk [tilespmem:v43+s28+$0x0], $0xffff;
	_ =	sdelay $0x3  }
0x10e: {  	v45 =	vld [tilespmem:$0x1C350]  }
0x10f: {  	[tilespmem:$0x1C730] =	vst v0  }
0x110: {  	v0 =	vld.idx.msk [tilespmem:v44+s28+$0x0], $0xffff;
	_ =	sdelay $0x3  }
0x111: {  	v46 =	vld [tilespmem:$0x1C360]  }
0x112: {  	[tilespmem:$0x1C740] =	vst v0  }
0x113: {  	v0 =	vld.idx.msk [tilespmem:v45+s28+$0x0], $0xffff;
	_ =	sdelay $0x3  }
0x114: {  	v47 =	vld [tilespmem:$0x1C370]  }
0x115: {  	[tilespmem:$0x1C750] =	vst v0  }
0x116: {  	v0 =	vld.idx.msk [tilespmem:v46+s28+$0x0], $0xffff;
	_ =	sdelay $0x3  }
0x117: {  	v48 =	vld [tilespmem:$0x1C380]  }
0x118: {  	[tilespmem:$0x1C760] =	vst v0  }
0x119: {  	v0 =	vld.idx.msk [tilespmem:v47+s28+$0x0], $0xffff;
	_ =	sdelay $0x3  }
0x11a: {  	v49 =	vld [tilespmem:$0x1C390]  }
0x11b: {  	[tilespmem:$0x1C770] =	vst v0  }
0x11c: {  	v0 =	vld.idx.msk [tilespmem:v48+s28+$0x0], $0xffff;
	_ =	sdelay $0x3  }
0x11d: {  	v50 =	vld [tilespmem:$0x1C3A0]  }
0x11e: {  	[tilespmem:$0x1C780] =	vst v0  }
0x11f: {  	v0 =	vld.idx.msk [tilespmem:v49+s28+$0x0], $0xffff;
	_ =	sdelay $0x3  }
0x120: {  	v51 =	vld [tilespmem:$0x1C3B0]  }
0x121: {  	[tilespmem:$0x1C790] =	vst v0  }
0x122: {  	v0 =	vld.idx.msk [tilespmem:v50+s28+$0x0], $0xffff;
	_ =	sdelay $0x3  }
0x123: {  	v52 =	vld [tilespmem:$0x1C3C0]  }
0x124: {  	[tilespmem:$0x1C7A0] =	vst v0  }
0x125: {  	v0 =	vld.idx.msk [tilespmem:v51+s28+$0x0], $0xffff;
	_ =	sdelay $0x3  }
0x126: {  	v53 =	vld [tilespmem:$0x1C3D0]  }
0x127: {  	[tilespmem:$0x1C7B0] =	vst v0  }
0x128: {  	v0 =	vld.idx.msk [tilespmem:v52+s28+$0x0], $0xffff;
	_ =	sdelay $0x3  }
0x129: {  	v54 =	vld [tilespmem:$0x1C3E0]  }
0x12a: {  	[tilespmem:$0x1C7C0] =	vst v0  }
0x12b: {  	v0 =	vld.idx.msk [tilespmem:v53+s28+$0x0], $0xffff;
	_ =	sdelay $0x3  }
0x12c: {  	v55 =	vld [tilespmem:$0x1C3F0]  }
0x12d: {  	[tilespmem:$0x1C7D0] =	vst v0  }
0x12e: {  	v0 =	vld.idx.msk [tilespmem:v54+s28+$0x0], $0xffff;
	_ =	sdelay $0x3  }
0x12f: {  	v56 =	vld [tilespmem:$0x1C400]  }
0x130: {  	[tilespmem:$0x1C7E0] =	vst v0  }
0x131: {  	v0 =	vld.idx.msk [tilespmem:v55+s28+$0x0], $0xffff;
	_ =	sdelay $0x3  }
0x132: {  	v57 =	vld [tilespmem:$0x1C410]  }
0x133: {  	[tilespmem:$0x1C7F0] =	vst v0  }
0x134: {  	v0 =	vld.idx.msk [tilespmem:v56+s28+$0x0], $0xffff;
	_ =	sdelay $0x3  }
0x135: {  	v58 =	vld [tilespmem:$0x1C420]  }
0x136: {  	[tilespmem:$0x1C800] =	vst v0  }
0x137: {  	v0 =	vld.idx.msk [tilespmem:v57+s28+$0x0], $0xffff;
	_ =	sdelay $0x3  }
0x138: {  	v59 =	vld [tilespmem:$0x1C430]  }
0x139: {  	[tilespmem:$0x1C810] =	vst v0  }
0x13a: {  	v0 =	vld.idx.msk [tilespmem:v58+s28+$0x0], $0xffff;
	_ =	sdelay $0x3  }
0x13b: {  	v60 =	vld [tilespmem:$0x1C440]  }
0x13c: {  	[tilespmem:$0x1C820] =	vst v0  }
0x13d: {  	v0 =	vld.idx.msk [tilespmem:v59+s28+$0x0], $0xffff;
	_ =	sdelay $0x3  }
0x13e: {  	v61 =	vld [tilespmem:$0x1C450]  }
0x13f: {  	[tilespmem:$0x1C830] =	vst v0  }
0x140: {  	v0 =	vld.idx.msk [tilespmem:v60+s28+$0x0], $0xffff;
	_ =	sdelay $0x3  }
0x141: {  	v62 =	vld [tilespmem:$0x1C460]  }
0x142: {  	[tilespmem:$0x1C840] =	vst v0  }
0x143: {  	v0 =	vld.idx.msk [tilespmem:v61+s28+$0x0], $0xffff;
	_ =	sdelay $0x3  }
0x144: {  	v63 =	vld [tilespmem:$0x1C470]  }
0x145: {  	[tilespmem:$0x1C850] =	vst v0  }
0x146: {  	v0 =	vld.idx.msk [tilespmem:v62+s28+$0x0], $0xffff;
	_ =	sdelay $0x4  }
0x147: {  	[tilespmem:$0x1C860] =	vst v0  }
0x148: {  	v0 =	vld.idx.msk [tilespmem:v63+s28+$0x0], $0xffff;
	_ =	sdelay $0x3  }
0x149: {  	p0 =	sne.s32 s0, $0xF00  }
.Ltmp1:
0x14a: {  	s5 =	sadd.s32 s0, s14;
	[tilespmem:$0x1C870] =	vst v0;
	(pc) =	sbr.rel @p0 .LBB2_4-.Ltmp1, $4  }
0x14b: {  	[hbm4b:s5+s3] =	stream.linear.scatter [tilespmem:s30], [sflag:$0x5], $0x400, $0x200038;
	[tilespmem:$0x1C880] =	vst v63  }
0x14c: {  	_ =	swait.ge [sflag:s21], $0x400  }
0x14d: {  	[sflag:s21] =	ssyncset.done $0x0  }
0x14e: {  	s0 =	sadd.s32 $0x80, s0;
	[sflag:s21] =	ssyncadd.s32 $0xFFFFFC00  }
0x14f: {  	s31 =	sadd.s32 $0x1, s31  }
0x150: {  	p0 =	sne.s32 s31, s9  }
.Ltmp2:
0x151: {  	_ = 	snop;
	(pc) =	sbr.rel @p0 .LBB2_1-.Ltmp2, $2  }
0x152: {  	_ =	sdelay $0x2  }
0x153: {  	_ =	strace $0x9000004B  }
0x154: {  	_ =	sfence.sel $0x180000  }
0x155: {  	[bflag:$0x0] =	sbarrier.arrive $0xFFFF  }
0x156: {  	_ =	strace $0x90000047  }
0x157: {  	s0 =	stileid.u32;
	[bflag:$0x2] =	sbarrier.arrive $0xFFFF  }
0x158: {  	p0 =	sne.s32 s0, $0x0;
	s0 =	rddreg [dreg:$0x3]  }
0x159: {  	s0 =	sadd.s32 @!p0 $0x100000, s0  }
0x15a: {  	[sflag:s0] =	ssyncadd.tile.s32 @!p0 $0x1;
	_ =	shalt  }
.Lfunc_end2:
_tile_overlayer_lowered:
.L_overlay_start_2:
0x15b: {  	(tag) =	ssettag $0x2  }
0x15c: {  	s0 =	rddreg [dreg:$0x0];
	s2 =	stileid.u32  }
0x15d: {  	s1 =	rddreg [dreg:$0x1];
	p0 =	sne.s32 s2, $0x0  }
0x15e: {  	s3 =	rddreg [dreg:$0x2];
	[bflag:$0x3] =	sbarrier.arrive $0xFFFF;
	s2 =	simm.s32 @!p0 $0x1C05  }
0x15f: {  	[timem:s3], [sflag:s2] =	dma.local @!p0 [hbm:s0], s1  }
0x160: {  	s0 =	simm.s32 @!p0 $0x5  }
0x161: {  	_ =	swait.ge @!p0 [sflag:s0], s1  }
0x162: {  	s1 =	ssub.s32 @!p0 $0x0, s1;
	[sflag:s0] =	ssyncset.done @!p0 $0x0  }
0x163: {  	[sflag:s0] =	ssyncadd.s32 @!p0 s1  }
0x164: {  	[bflag:$0x3] =	sbarrier.arrive $0xFFFF  }
0x165: {  	_ =	shalt  }

</sc_bundles>
